<compile_context>
chip_gen: v7x
topology: tpu7x:2x2x1
jax: 0.10.2.dev20260603
libtpu: 0.0.44.dev20260713+nightly
codegen_flags: <defaults>
</compile_context>

<pallas_src>
import functools

import jax
import jax.numpy as jnp
from jax import lax
from jax.experimental import pallas as pl
from jax.experimental.pallas import tpu as pltpu
from jax.experimental.pallas import tpu_sc as plsc

VOCAB = 1000
D = 1000
B = 1024
T = 200
NW = 32
BT = B // 128
NFRAG = T * BT
FPW = NFRAG // NW
DSLAB = 40
NSLAB = D // DSLAB
SLABW = DSLAB * VOCAB
NITER = NSLAB * FPW


def _body(tableT_hbm, idxT_hbm, out_hbm, idx_v, slab_v, frag_v, sem_o,
          sem_s):
    c_ax = lax.axis_index("c")
    s_ax = lax.axis_index("s")
    wid = s_ax * 2 + c_ax

    def stage_idx(k, carry):
        f = wid + NW * k
        pltpu.sync_copy(
            idxT_hbm.at[pl.ds(f * 128, 128)],
            idx_v.at[pl.ds(k * 128, 128)],
        )
        return carry

    lax.fori_loop(0, FPW, stage_idx, 0)

    def frag_dma(k, s, p):
        f = wid + NW * k
        t = f // BT
        bt = lax.rem(f, BT)
        return pltpu.make_async_copy(
            frag_v.at[p],
            out_hbm.at[t, pl.ds(s * DSLAB, DSLAB), pl.ds(bt * 128, 128)],
            sem_o.at[p],
        )

    def stage_dma(s, sb):
        return pltpu.make_async_copy(
            tableT_hbm.at[pl.ds(s * SLABW, SLABW)],
            slab_v.at[pl.ds(sb * SLABW, SLABW)],
            sem_s.at[sb],
        )

    stage_dma(0, 0).start()

    def process(k, s, off, p):
        tok = [
            idx_v[pl.ds(k * 128 + 16 * j, 16)] + off for j in range(8)
        ]

        def drow(h, iv):
            d = 2 * h
            got = [plsc.load_gather(slab_v, [iv[j]]) for j in range(8)]
            iv2 = tuple(v + VOCAB for v in iv)
            got2 = [plsc.load_gather(slab_v, [iv2[j]]) for j in range(8)]
            for j in range(8):
                frag_v[p, d, pl.ds(16 * j, 16)] = got[j]
            for j in range(8):
                frag_v[p, d + 1, pl.ds(16 * j, 16)] = got2[j]
            return tuple(v + VOCAB for v in iv2)

        lax.fori_loop(0, DSLAB // 2, drow, tuple(tok))
        frag_dma(k, s, p).start()

    def body(ii, carry):
        i0 = 2 * ii
        s = i0 // FPW
        k0 = lax.rem(i0, FPW)
        sb = lax.rem(s, 2)

        @pl.when(k0 == 0)
        def _():
            stage_dma(s, sb).wait()

            @pl.when(s + 1 < NSLAB)
            def _():
                stage_dma(s + 1, 1 - sb).start()

        off = sb * SLABW

        @pl.when(ii >= 1)
        def _():
            frag_dma(k0, s, 0).wait()

        process(k0, s, off, 0)

        @pl.when(ii >= 1)
        def _():
            frag_dma(k0 + 1, s, 1).wait()

        process(k0 + 1, s, off, 1)
        return carry

    lax.fori_loop(0, NITER // 2, body, 0)
    frag_dma(FPW - 1, NSLAB - 1, 0).wait()
    frag_dma(FPW - 1, NSLAB - 1, 1).wait()


@jax.jit
def kernel(idx, token_embedding):
    idxT_flat = idx.T.reshape(-1)
    tableT_flat = token_embedding.T.reshape(-1)
    mesh = plsc.VectorSubcoreMesh(core_axis_name="c", subcore_axis_name="s")
    out = pl.kernel(
        _body,
        out_type=jax.ShapeDtypeStruct((T, D, B), jnp.float32),
        mesh=mesh,
        scratch_types=[
            pltpu.VMEM((FPW * 128,), jnp.int32),
            pltpu.VMEM((2 * SLABW,), jnp.float32),
            pltpu.VMEM((2, DSLAB, 128), jnp.float32),
            pltpu.SemaphoreType.DMA((2,)),
            pltpu.SemaphoreType.DMA((2,)),
        ],
        compiler_params=pltpu.CompilerParams(needs_layout_passes=False),
    )(tableT_flat, idxT_flat)
    return out.transpose(2, 0, 1)

# --- scband reference (transcript-rebuilt; emitter-appended) ---
"""Pipeline reference for scband-bigram-lm-53111565582997 (READ-ONLY COPY).

The authoritative reference and input builder live on the scoring server;
editing this copy changes nothing except your own understanding.
"""

import jax, jax.numpy as jnp
import numpy as np

VOCAB = 1000
B = 1024
T = 200

def setup_inputs(seed: int = 0) -> dict:
    key = jax.random.key(seed)
    k1, k2 = jax.random.split(key)
    idx = jax.random.randint(k1, (B, T), 0, VOCAB, dtype=jnp.int32)
    # learned parameter: nn.Embedding(vocab_size, vocab_size) weight table
    token_embedding = jax.random.normal(k2, (VOCAB, VOCAB), dtype=jnp.float32)
    return {"idx": idx, "token_embedding": token_embedding}

def reference(idx, token_embedding):
    # BigramLM.forward with targets=None: logits = self.token_embedding(idx)
    logits = jnp.take(token_embedding, idx, axis=0)  # [B, T, VOCAB]
    return logits

if __name__ == "__main__":
    import jax
    _d = setup_inputs()
    print(jax.jit(kernel)(*tuple(_d.values())))

</pallas_src>

<mosaic_0001>
#map = affine_map<(d0, d1) -> (0)>
#map1 = affine_map<(d0, d1) -> (0, 0, 0)>
module attributes {stable_mosaic.version = 14 : i64} {
  func.func @_body(%arg0: i32, %arg1: i32, %arg2: memref<1000000xf32, #tpu.memory_space<hbm>>, %arg3: memref<204800xi32, #tpu.memory_space<hbm>>, %arg4: memref<200x1000x1024xf32, #tpu.memory_space<hbm>>, %arg5: memref<6400xi32, #tpu.memory_space<vmem>>, %arg6: memref<80000xf32, #tpu.memory_space<vmem>>, %arg7: memref<2x40x128xf32, #tpu.memory_space<vmem>>, %arg8: memref<2x!tpu.dma_semaphore, #tpu.memory_space<semaphore_mem>>, %arg9: memref<2x!tpu.dma_semaphore, #tpu.memory_space<semaphore_mem>>) attributes {dimension_semantics = [#tpu.dimension_semantics<core_parallel>, #tpu.dimension_semantics<subcore_parallel>], iteration_bounds = array<i64: 2, 16>, scalar_prefetch = 0 : i64, scratch_operands = 5 : i64, tpu.core_type = #tpu.core_type<sc_vector_subcore>, window_params = [{transform_indices = #map}, {transform_indices = #map}, {transform_indices = #map1}]} {
    %mul3A = arith.constant 2 : i32
    %mul3A_0 = arith.muli %arg1, %mul3A : i32
    %add3A = arith.addi %mul3A_0, %arg0 : i32
    %scan3A = arith.constant 0 : i32
    %scan3A_1 = arith.constant 0 : i32
    %scan3A_2 = arith.constant 50 : i32
    %scan3A_3 = arith.addi %scan3A_1, %scan3A_2 : i32
    %scan3A_4 = arith.constant 1 : i32
    scf.for %scan3A_109 = %scan3A_1 to %scan3A_3 step %scan3A_4  : i32 {
      %mul3A_110 = arith.constant 32 : i32
      %mul3A_111 = arith.muli %mul3A_110, %scan3A_109 : i32
      %add3A_112 = arith.addi %add3A, %mul3A_111 : i32
      %mul3A_113 = arith.constant 128 : i32
      %mul3A_114 = arith.muli %add3A_112, %mul3A_113 : i32
      %mul3A_115 = arith.constant 128 : i32
      %mul3A_116 = arith.muli %scan3A_109, %mul3A_115 : i32
      "tpu.region"() ({
        %run_scoped3A = tpu.sem_alloc : memref<!tpu.dma_semaphore, #tpu.memory_space<semaphore_mem>>
        %dma_start3A_117 = tpu.memref_slice %arg5[%mul3A_116] : memref<6400xi32, #tpu.memory_space<vmem>> -> memref<128xi32, #tpu.memory_space<vmem>>
        %dma_start3A_118 = tpu.memref_slice %arg3[%mul3A_114] : memref<204800xi32, #tpu.memory_space<hbm>> -> memref<128xi32, #tpu.memory_space<hbm>>
        %dma_start3A_119 = tpu.memref_slice %arg5[%mul3A_116] : memref<6400xi32, #tpu.memory_space<vmem>> -> memref<128xi32, #tpu.memory_space<vmem>>
        %dma_start3A_120 = tpu.memref_slice %arg3[%mul3A_114] : memref<204800xi32, #tpu.memory_space<hbm>> -> memref<128xi32, #tpu.memory_space<hbm>>
        tpu.enqueue_dma source(%dma_start3A_120 : memref<128xi32, #tpu.memory_space<hbm>>) target(%dma_start3A_119 : memref<128xi32, #tpu.memory_space<vmem>>) target_semaphore(%run_scoped3A : memref<!tpu.dma_semaphore, #tpu.memory_space<semaphore_mem>>)
        %dma_wait3A_121 = tpu.memref_slice %arg5[%mul3A_116] : memref<6400xi32, #tpu.memory_space<vmem>> -> memref<128xi32, #tpu.memory_space<vmem>>
        %dma_wait3A_122 = tpu.memref_slice %arg3[%mul3A_114] : memref<204800xi32, #tpu.memory_space<hbm>> -> memref<128xi32, #tpu.memory_space<hbm>>
        %dma_wait3A_123 = tpu.memref_slice %arg5[%mul3A_116] : memref<6400xi32, #tpu.memory_space<vmem>> -> memref<128xi32, #tpu.memory_space<vmem>>
        %dma_wait3A_124 = tpu.memref_slice %arg3[%mul3A_114] : memref<204800xi32, #tpu.memory_space<hbm>> -> memref<128xi32, #tpu.memory_space<hbm>>
        tpu.wait_dma2 semaphore(%run_scoped3A : memref<!tpu.dma_semaphore, #tpu.memory_space<semaphore_mem>>) src(%dma_wait3A_124 : memref<128xi32, #tpu.memory_space<hbm>>) dst(%dma_wait3A_123 : memref<128xi32, #tpu.memory_space<vmem>>)
        tpu.yield
      }) : () -> ()
    }
    %scan3A_5 = arith.constant 50 : i32
    %dma_start3A = arith.constant 0 : i32
    %dma_start3A_6 = arith.constant 0 : i32
    %dma_start3A_7 = tpu.memref_slice %arg6[%dma_start3A_6] : memref<80000xf32, #tpu.memory_space<vmem>> -> memref<40000xf32, #tpu.memory_space<vmem>>
    %dma_start3A_8 = arith.constant 0 : i32
    %dma_start3A_9 = tpu.memref_slice %arg2[%dma_start3A_8] : memref<1000000xf32, #tpu.memory_space<hbm>> -> memref<40000xf32, #tpu.memory_space<hbm>>
    %dma_start3A_10 = tpu.memref_slice %arg9[%dma_start3A] : memref<2x!tpu.dma_semaphore, #tpu.memory_space<semaphore_mem>> -> memref<1x!tpu.dma_semaphore, #tpu.memory_space<semaphore_mem>>
    %dma_start3A_11 = tpu.memref_squeeze %dma_start3A_10 : memref<1x!tpu.dma_semaphore, #tpu.memory_space<semaphore_mem>> -> memref<!tpu.dma_semaphore, #tpu.memory_space<semaphore_mem>>
    %dma_start3A_12 = arith.constant 0 : i32
    %dma_start3A_13 = tpu.memref_slice %arg6[%dma_start3A_12] : memref<80000xf32, #tpu.memory_space<vmem>> -> memref<40000xf32, #tpu.memory_space<vmem>>
    %dma_start3A_14 = arith.constant 0 : i32
    %dma_start3A_15 = tpu.memref_slice %arg2[%dma_start3A_14] : memref<1000000xf32, #tpu.memory_space<hbm>> -> memref<40000xf32, #tpu.memory_space<hbm>>
    tpu.enqueue_dma source(%dma_start3A_15 : memref<40000xf32, #tpu.memory_space<hbm>>) target(%dma_start3A_13 : memref<40000xf32, #tpu.memory_space<vmem>>) target_semaphore(%dma_start3A_11 : memref<!tpu.dma_semaphore, #tpu.memory_space<semaphore_mem>>)
    %scan3A_16 = arith.constant 0 : i32
    %scan3A_17 = arith.constant 0 : i32
    %scan3A_18 = arith.constant 625 : i32
    %scan3A_19 = arith.addi %scan3A_17, %scan3A_18 : i32
    %scan3A_20 = arith.constant 1 : i32
    scf.for %scan3A_109 = %scan3A_17 to %scan3A_19 step %scan3A_20  : i32 {
      %mul3A_110 = arith.constant 2 : i32
      %mul3A_111 = arith.muli %mul3A_110, %scan3A_109 : i32
      %jit3A_112 = arith.constant 50 : i32
      %div3A_113 = arith.divsi %mul3A_111, %jit3A_112 : i32
      %sign3A_114 = arith.constant 0 : i32
      %sign3A_115 = arith.cmpi sgt, %mul3A_111, %sign3A_114 : i32
      %sign3A_116 = arith.extui %sign3A_115 : i1 to i32
      %sign3A_117 = arith.constant 0 : i32
      %sign3A_118 = arith.cmpi slt, %mul3A_111, %sign3A_117 : i32
      %sign3A_119 = arith.extui %sign3A_118 : i1 to i32
      %sign3A_120 = arith.subi %sign3A_116, %sign3A_119 : i32
      %sign3A_121 = arith.constant 0 : i32
      %sign3A_122 = arith.cmpi sgt, %jit3A_112, %sign3A_121 : i32
      %sign3A_123 = arith.extui %sign3A_122 : i1 to i32
      %sign3A_124 = arith.constant 0 : i32
      %sign3A_125 = arith.cmpi slt, %jit3A_112, %sign3A_124 : i32
      %sign3A_126 = arith.extui %sign3A_125 : i1 to i32
      %sign3A_127 = arith.subi %sign3A_123, %sign3A_126 : i32
      %ne3A_128 = arith.cmpi ne, %sign3A_120, %sign3A_127 : i32
      %rem3A_129 = arith.remsi %mul3A_111, %jit3A_112 : i32
      %ne3A_130 = arith.constant 0 : i32
      %ne3A_131 = arith.cmpi ne, %rem3A_129, %ne3A_130 : i32
      %and3A_132 = arith.andi %ne3A_128, %ne3A_131 : i1
      %sub3A_133 = arith.constant 1 : i32
      %sub3A_134 = arith.subi %div3A_113, %sub3A_133 : i32
      %select_n3A_135 = arith.select %and3A_132, %sub3A_134, %div3A_113 : i32
      %rem3A_136 = arith.constant 50 : i32
      %rem3A_137 = arith.remsi %mul3A_111, %rem3A_136 : i32
      %rem3A_138 = arith.constant 2 : i32
      %rem3A_139 = arith.remsi %select_n3A_135, %rem3A_138 : i32
      %eq3A = arith.constant 0 : i32
      %eq3A_140 = arith.cmpi eq, %rem3A_137, %eq3A : i32
      %convert_element_type3A = arith.extui %eq3A_140 : i1 to i32
      %cond3A = arith.constant 0 : i32
      %cond3A_141 = arith.cmpi ne, %convert_element_type3A, %cond3A : i32
      scf.if %cond3A_141 {
        %mul3A_392 = arith.constant 40000 : i32
        %mul3A_393 = arith.muli %select_n3A_135, %mul3A_392 : i32
        %mul3A_394 = arith.constant 40000 : i32
        %mul3A_395 = arith.muli %rem3A_139, %mul3A_394 : i32
        %dma_wait3A_396 = tpu.memref_slice %arg6[%mul3A_395] : memref<80000xf32, #tpu.memory_space<vmem>> -> memref<40000xf32, #tpu.memory_space<vmem>>
        %dma_wait3A_397 = tpu.memref_slice %arg2[%mul3A_393] : memref<1000000xf32, #tpu.memory_space<hbm>> -> memref<40000xf32, #tpu.memory_space<hbm>>
        %dma_wait3A_398 = tpu.memref_slice %arg9[%rem3A_139] : memref<2x!tpu.dma_semaphore, #tpu.memory_space<semaphore_mem>> -> memref<1x!tpu.dma_semaphore, #tpu.memory_space<semaphore_mem>>
        %dma_wait3A_399 = tpu.memref_squeeze %dma_wait3A_398 : memref<1x!tpu.dma_semaphore, #tpu.memory_space<semaphore_mem>> -> memref<!tpu.dma_semaphore, #tpu.memory_space<semaphore_mem>>
        %dma_wait3A_400 = tpu.memref_slice %arg6[%mul3A_395] : memref<80000xf32, #tpu.memory_space<vmem>> -> memref<40000xf32, #tpu.memory_space<vmem>>
        %dma_wait3A_401 = tpu.memref_slice %arg2[%mul3A_393] : memref<1000000xf32, #tpu.memory_space<hbm>> -> memref<40000xf32, #tpu.memory_space<hbm>>
        tpu.wait_dma2 semaphore(%dma_wait3A_399 : memref<!tpu.dma_semaphore, #tpu.memory_space<semaphore_mem>>) src(%dma_wait3A_401 : memref<40000xf32, #tpu.memory_space<hbm>>) dst(%dma_wait3A_400 : memref<40000xf32, #tpu.memory_space<vmem>>)
        %add3A_402 = arith.constant 1 : i32
        %add3A_403 = arith.addi %select_n3A_135, %add3A_402 : i32
        %lt3A = arith.constant 25 : i32
        %lt3A_404 = arith.cmpi slt, %add3A_403, %lt3A : i32
        %convert_element_type3A_405 = arith.extui %lt3A_404 : i1 to i32
        %cond3A_406 = arith.constant 0 : i32
        %cond3A_407 = arith.cmpi ne, %convert_element_type3A_405, %cond3A_406 : i32
        scf.if %cond3A_407 {
          %add3A_408 = arith.constant 1 : i32
          %add3A_409 = arith.addi %select_n3A_135, %add3A_408 : i32
          %sub3A_410 = arith.constant 1 : i32
          %sub3A_411 = arith.subi %sub3A_410, %rem3A_139 : i32
          %mul3A_412 = arith.constant 40000 : i32
          %mul3A_413 = arith.muli %add3A_409, %mul3A_412 : i32
          %mul3A_414 = arith.constant 40000 : i32
          %mul3A_415 = arith.muli %sub3A_411, %mul3A_414 : i32
          %dma_start3A_416 = tpu.memref_slice %arg6[%mul3A_415] : memref<80000xf32, #tpu.memory_space<vmem>> -> memref<40000xf32, #tpu.memory_space<vmem>>
          %dma_start3A_417 = tpu.memref_slice %arg2[%mul3A_413] : memref<1000000xf32, #tpu.memory_space<hbm>> -> memref<40000xf32, #tpu.memory_space<hbm>>
          %dma_start3A_418 = tpu.memref_slice %arg9[%sub3A_411] : memref<2x!tpu.dma_semaphore, #tpu.memory_space<semaphore_mem>> -> memref<1x!tpu.dma_semaphore, #tpu.memory_space<semaphore_mem>>
          %dma_start3A_419 = tpu.memref_squeeze %dma_start3A_418 : memref<1x!tpu.dma_semaphore, #tpu.memory_space<semaphore_mem>> -> memref<!tpu.dma_semaphore, #tpu.memory_space<semaphore_mem>>
          %dma_start3A_420 = tpu.memref_slice %arg6[%mul3A_415] : memref<80000xf32, #tpu.memory_space<vmem>> -> memref<40000xf32, #tpu.memory_space<vmem>>
          %dma_start3A_421 = tpu.memref_slice %arg2[%mul3A_413] : memref<1000000xf32, #tpu.memory_space<hbm>> -> memref<40000xf32, #tpu.memory_space<hbm>>
          tpu.enqueue_dma source(%dma_start3A_421 : memref<40000xf32, #tpu.memory_space<hbm>>) target(%dma_start3A_420 : memref<40000xf32, #tpu.memory_space<vmem>>) target_semaphore(%dma_start3A_419 : memref<!tpu.dma_semaphore, #tpu.memory_space<semaphore_mem>>)
        } else {
        }
      } else {
      }
      %mul3A_142 = arith.constant 40000 : i32
      %mul3A_143 = arith.muli %rem3A_139, %mul3A_142 : i32
      %ge3A = arith.constant 1 : i32
      %ge3A_144 = arith.cmpi sge, %scan3A_109, %ge3A : i32
      %convert_element_type3A_145 = arith.extui %ge3A_144 : i1 to i32
      %cond3A_146 = arith.constant 0 : i32
      %cond3A_147 = arith.cmpi ne, %convert_element_type3A_145, %cond3A_146 : i32
      scf.if %cond3A_147 {
        %mul3A_392 = arith.constant 32 : i32
        %mul3A_393 = arith.muli %mul3A_392, %rem3A_137 : i32
        %add3A_394 = arith.addi %add3A, %mul3A_393 : i32
        %jit3A_395 = arith.constant 8 : i32
        %div3A_396 = arith.divsi %add3A_394, %jit3A_395 : i32
        %sign3A_397 = arith.constant 0 : i32
        %sign3A_398 = arith.cmpi sgt, %add3A_394, %sign3A_397 : i32
        %sign3A_399 = arith.extui %sign3A_398 : i1 to i32
        %sign3A_400 = arith.constant 0 : i32
        %sign3A_401 = arith.cmpi slt, %add3A_394, %sign3A_400 : i32
        %sign3A_402 = arith.extui %sign3A_401 : i1 to i32
        %sign3A_403 = arith.subi %sign3A_399, %sign3A_402 : i32
        %sign3A_404 = arith.constant 0 : i32
        %sign3A_405 = arith.cmpi sgt, %jit3A_395, %sign3A_404 : i32
        %sign3A_406 = arith.extui %sign3A_405 : i1 to i32
        %sign3A_407 = arith.constant 0 : i32
        %sign3A_408 = arith.cmpi slt, %jit3A_395, %sign3A_407 : i32
        %sign3A_409 = arith.extui %sign3A_408 : i1 to i32
        %sign3A_410 = arith.subi %sign3A_406, %sign3A_409 : i32
        %ne3A_411 = arith.cmpi ne, %sign3A_403, %sign3A_410 : i32
        %rem3A_412 = arith.remsi %add3A_394, %jit3A_395 : i32
        %ne3A_413 = arith.constant 0 : i32
        %ne3A_414 = arith.cmpi ne, %rem3A_412, %ne3A_413 : i32
        %and3A_415 = arith.andi %ne3A_411, %ne3A_414 : i1
        %sub3A_416 = arith.constant 1 : i32
        %sub3A_417 = arith.subi %div3A_396, %sub3A_416 : i32
        %select_n3A_418 = arith.select %and3A_415, %sub3A_417, %div3A_396 : i32
        %rem3A_419 = arith.constant 8 : i32
        %rem3A_420 = arith.remsi %add3A_394, %rem3A_419 : i32
        %mul3A_421 = arith.constant 40 : i32
        %mul3A_422 = arith.muli %select_n3A_135, %mul3A_421 : i32
        %mul3A_423 = arith.constant 128 : i32
        %mul3A_424 = arith.muli %rem3A_420, %mul3A_423 : i32
        %dma_wait3A_425 = arith.constant 0 : i32
        %dma_wait3A_426 = arith.constant 0 : i32
        %dma_wait3A_427 = arith.constant 0 : i32
        %dma_wait3A_428 = arith.constant 0 : i32
        %dma_wait3A_429 = tpu.memref_slice %arg7[%dma_wait3A_425, %dma_wait3A_427, %dma_wait3A_428] : memref<2x40x128xf32, #tpu.memory_space<vmem>> -> memref<1x40x128xf32, #tpu.memory_space<vmem>>
        %dma_wait3A_430 = tpu.memref_squeeze %dma_wait3A_429 : memref<1x40x128xf32, #tpu.memory_space<vmem>> -> memref<40x128xf32, #tpu.memory_space<vmem>>
        %dma_wait3A_431 = tpu.memref_slice %arg4[%select_n3A_418, %mul3A_422, %mul3A_424] : memref<200x1000x1024xf32, #tpu.memory_space<hbm>> -> memref<1x40x128xf32, #tpu.memory_space<hbm>>
        %dma_wait3A_432 = tpu.memref_squeeze %dma_wait3A_431 : memref<1x40x128xf32, #tpu.memory_space<hbm>> -> memref<40x128xf32, #tpu.memory_space<hbm>>
        %dma_wait3A_433 = tpu.memref_slice %arg8[%dma_wait3A_426] : memref<2x!tpu.dma_semaphore, #tpu.memory_space<semaphore_mem>> -> memref<1x!tpu.dma_semaphore, #tpu.memory_space<semaphore_mem>>
        %dma_wait3A_434 = tpu.memref_squeeze %dma_wait3A_433 : memref<1x!tpu.dma_semaphore, #tpu.memory_space<semaphore_mem>> -> memref<!tpu.dma_semaphore, #tpu.memory_space<semaphore_mem>>
        %dma_wait3A_435 = tpu.memref_slice %arg4[%select_n3A_418, %mul3A_422, %mul3A_424] : memref<200x1000x1024xf32, #tpu.memory_space<hbm>> -> memref<1x40x128xf32, #tpu.memory_space<hbm>>
        %dma_wait3A_436 = tpu.memref_squeeze %dma_wait3A_435 : memref<1x40x128xf32, #tpu.memory_space<hbm>> -> memref<40x128xf32, #tpu.memory_space<hbm>>
        %dma_wait3A_437 = arith.constant 0 : i32
        %dma_wait3A_438 = arith.constant 0 : i32
        %dma_wait3A_439 = tpu.memref_slice %arg7[%dma_wait3A_425, %dma_wait3A_437, %dma_wait3A_438] : memref<2x40x128xf32, #tpu.memory_space<vmem>> -> memref<1x40x128xf32, #tpu.memory_space<vmem>>
        %dma_wait3A_440 = tpu.memref_squeeze %dma_wait3A_439 : memref<1x40x128xf32, #tpu.memory_space<vmem>> -> memref<40x128xf32, #tpu.memory_space<vmem>>
        tpu.wait_dma2 semaphore(%dma_wait3A_434 : memref<!tpu.dma_semaphore, #tpu.memory_space<semaphore_mem>>) src(%dma_wait3A_440 : memref<40x128xf32, #tpu.memory_space<vmem>>) dst(%dma_wait3A_436 : memref<40x128xf32, #tpu.memory_space<hbm>>)
      } else {
      }
      %mul3A_148 = arith.constant 128 : i32
      %mul3A_149 = arith.muli %rem3A_137, %mul3A_148 : i32
      %add3A_150 = arith.constant 0 : i32
      %add3A_151 = arith.addi %mul3A_149, %add3A_150 : i32
      %get3A = arith.index_cast %add3A_151 : i32 to index
      %get3A_152 = tpu.vector_load %arg5[%get3A] {strides = array<i32>} : memref<6400xi32, #tpu.memory_space<vmem>>, vector<16xi32>,
      %add3A_153 = vector.broadcast %mul3A_143 : i32 to vector<16xi32>
      %add3A_154 = arith.addi %get3A_152, %add3A_153 : vector<16xi32>
      %mul3A_155 = arith.constant 128 : i32
      %mul3A_156 = arith.muli %rem3A_137, %mul3A_155 : i32
      %add3A_157 = arith.constant 16 : i32
      %add3A_158 = arith.addi %mul3A_156, %add3A_157 : i32
      %get3A_159 = arith.index_cast %add3A_158 : i32 to index
      %get3A_160 = tpu.vector_load %arg5[%get3A_159] {strides = array<i32>} : memref<6400xi32, #tpu.memory_space<vmem>>, vector<16xi32>,
      %add3A_161 = vector.broadcast %mul3A_143 : i32 to vector<16xi32>
      %add3A_162 = arith.addi %get3A_160, %add3A_161 : vector<16xi32>
      %mul3A_163 = arith.constant 128 : i32
      %mul3A_164 = arith.muli %rem3A_137, %mul3A_163 : i32
      %add3A_165 = arith.constant 32 : i32
      %add3A_166 = arith.addi %mul3A_164, %add3A_165 : i32
      %get3A_167 = arith.index_cast %add3A_166 : i32 to index
      %get3A_168 = tpu.vector_load %arg5[%get3A_167] {strides = array<i32>} : memref<6400xi32, #tpu.memory_space<vmem>>, vector<16xi32>,
      %add3A_169 = vector.broadcast %mul3A_143 : i32 to vector<16xi32>
      %add3A_170 = arith.addi %get3A_168, %add3A_169 : vector<16xi32>
      %mul3A_171 = arith.constant 128 : i32
      %mul3A_172 = arith.muli %rem3A_137, %mul3A_171 : i32
      %add3A_173 = arith.constant 48 : i32
      %add3A_174 = arith.addi %mul3A_172, %add3A_173 : i32
      %get3A_175 = arith.index_cast %add3A_174 : i32 to index
      %get3A_176 = tpu.vector_load %arg5[%get3A_175] {strides = array<i32>} : memref<6400xi32, #tpu.memory_space<vmem>>, vector<16xi32>,
      %add3A_177 = vector.broadcast %mul3A_143 : i32 to vector<16xi32>
      %add3A_178 = arith.addi %get3A_176, %add3A_177 : vector<16xi32>
      %mul3A_179 = arith.constant 128 : i32
      %mul3A_180 = arith.muli %rem3A_137, %mul3A_179 : i32
      %add3A_181 = arith.constant 64 : i32
      %add3A_182 = arith.addi %mul3A_180, %add3A_181 : i32
      %get3A_183 = arith.index_cast %add3A_182 : i32 to index
      %get3A_184 = tpu.vector_load %arg5[%get3A_183] {strides = array<i32>} : memref<6400xi32, #tpu.memory_space<vmem>>, vector<16xi32>,
      %add3A_185 = vector.broadcast %mul3A_143 : i32 to vector<16xi32>
      %add3A_186 = arith.addi %get3A_184, %add3A_185 : vector<16xi32>
      %mul3A_187 = arith.constant 128 : i32
      %mul3A_188 = arith.muli %rem3A_137, %mul3A_187 : i32
      %add3A_189 = arith.constant 80 : i32
      %add3A_190 = arith.addi %mul3A_188, %add3A_189 : i32
      %get3A_191 = arith.index_cast %add3A_190 : i32 to index
      %get3A_192 = tpu.vector_load %arg5[%get3A_191] {strides = array<i32>} : memref<6400xi32, #tpu.memory_space<vmem>>, vector<16xi32>,
      %add3A_193 = vector.broadcast %mul3A_143 : i32 to vector<16xi32>
      %add3A_194 = arith.addi %get3A_192, %add3A_193 : vector<16xi32>
      %mul3A_195 = arith.constant 128 : i32
      %mul3A_196 = arith.muli %rem3A_137, %mul3A_195 : i32
      %add3A_197 = arith.constant 96 : i32
      %add3A_198 = arith.addi %mul3A_196, %add3A_197 : i32
      %get3A_199 = arith.index_cast %add3A_198 : i32 to index
      %get3A_200 = tpu.vector_load %arg5[%get3A_199] {strides = array<i32>} : memref<6400xi32, #tpu.memory_space<vmem>>, vector<16xi32>,
      %add3A_201 = vector.broadcast %mul3A_143 : i32 to vector<16xi32>
      %add3A_202 = arith.addi %get3A_200, %add3A_201 : vector<16xi32>
      %mul3A_203 = arith.constant 128 : i32
      %mul3A_204 = arith.muli %rem3A_137, %mul3A_203 : i32
      %add3A_205 = arith.constant 112 : i32
      %add3A_206 = arith.addi %mul3A_204, %add3A_205 : i32
      %get3A_207 = arith.index_cast %add3A_206 : i32 to index
      %get3A_208 = tpu.vector_load %arg5[%get3A_207] {strides = array<i32>} : memref<6400xi32, #tpu.memory_space<vmem>>, vector<16xi32>,
      %add3A_209 = vector.broadcast %mul3A_143 : i32 to vector<16xi32>
      %add3A_210 = arith.addi %get3A_208, %add3A_209 : vector<16xi32>
      %scan3A_211 = arith.constant 0 : i32
      %scan3A_212 = arith.constant 20 : i32
      %scan3A_213 = arith.addi %scan3A_211, %scan3A_212 : i32
      %scan3A_214 = arith.constant 1 : i32
      %scan3A_215:8 = scf.for %scan3A_392 = %scan3A_211 to %scan3A_213 step %scan3A_214 iter_args(%scan3A_393 = %add3A_154, %scan3A_394 = %add3A_162, %scan3A_395 = %add3A_170, %scan3A_396 = %add3A_178, %scan3A_397 = %add3A_186, %scan3A_398 = %add3A_194, %scan3A_399 = %add3A_202, %scan3A_400 = %add3A_210) -> (vector<16xi32>, vector<16xi32>, vector<16xi32>, vector<16xi32>, vector<16xi32>, vector<16xi32>, vector<16xi32>, vector<16xi32>)  : i32 {
        %mul3A_401 = arith.constant 2 : i32
        %mul3A_402 = arith.muli %mul3A_401, %scan3A_392 : i32
        %gather3A = tpu.vector_load_idx %arg6[%scan3A_393] : memref<80000xf32, #tpu.memory_space<vmem>>[vector<16xi32>], vector<16xf32>,
        %gather3A_403 = tpu.vector_load_idx %arg6[%scan3A_394] : memref<80000xf32, #tpu.memory_space<vmem>>[vector<16xi32>], vector<16xf32>,
        %gather3A_404 = tpu.vector_load_idx %arg6[%scan3A_395] : memref<80000xf32, #tpu.memory_space<vmem>>[vector<16xi32>], vector<16xf32>,
        %gather3A_405 = tpu.vector_load_idx %arg6[%scan3A_396] : memref<80000xf32, #tpu.memory_space<vmem>>[vector<16xi32>], vector<16xf32>,
        %gather3A_406 = tpu.vector_load_idx %arg6[%scan3A_397] : memref<80000xf32, #tpu.memory_space<vmem>>[vector<16xi32>], vector<16xf32>,
        %gather3A_407 = tpu.vector_load_idx %arg6[%scan3A_398] : memref<80000xf32, #tpu.memory_space<vmem>>[vector<16xi32>], vector<16xf32>,
        %gather3A_408 = tpu.vector_load_idx %arg6[%scan3A_399] : memref<80000xf32, #tpu.memory_space<vmem>>[vector<16xi32>], vector<16xf32>,
        %gather3A_409 = tpu.vector_load_idx %arg6[%scan3A_400] : memref<80000xf32, #tpu.memory_space<vmem>>[vector<16xi32>], vector<16xf32>,
        %add3A_410 = arith.constant 1000 : i32
        %add3A_411 = vector.broadcast %add3A_410 : i32 to vector<16xi32>
        %add3A_412 = arith.addi %scan3A_393, %add3A_411 : vector<16xi32>
        %add3A_413 = arith.constant 1000 : i32
        %add3A_414 = vector.broadcast %add3A_413 : i32 to vector<16xi32>
        %add3A_415 = arith.addi %scan3A_394, %add3A_414 : vector<16xi32>
        %add3A_416 = arith.constant 1000 : i32
        %add3A_417 = vector.broadcast %add3A_416 : i32 to vector<16xi32>
        %add3A_418 = arith.addi %scan3A_395, %add3A_417 : vector<16xi32>
        %add3A_419 = arith.constant 1000 : i32
        %add3A_420 = vector.broadcast %add3A_419 : i32 to vector<16xi32>
        %add3A_421 = arith.addi %scan3A_396, %add3A_420 : vector<16xi32>
        %add3A_422 = arith.constant 1000 : i32
        %add3A_423 = vector.broadcast %add3A_422 : i32 to vector<16xi32>
        %add3A_424 = arith.addi %scan3A_397, %add3A_423 : vector<16xi32>
        %add3A_425 = arith.constant 1000 : i32
        %add3A_426 = vector.broadcast %add3A_425 : i32 to vector<16xi32>
        %add3A_427 = arith.addi %scan3A_398, %add3A_426 : vector<16xi32>
        %add3A_428 = arith.constant 1000 : i32
        %add3A_429 = vector.broadcast %add3A_428 : i32 to vector<16xi32>
        %add3A_430 = arith.addi %scan3A_399, %add3A_429 : vector<16xi32>
        %add3A_431 = arith.constant 1000 : i32
        %add3A_432 = vector.broadcast %add3A_431 : i32 to vector<16xi32>
        %add3A_433 = arith.addi %scan3A_400, %add3A_432 : vector<16xi32>
        %gather3A_434 = tpu.vector_load_idx %arg6[%add3A_412] : memref<80000xf32, #tpu.memory_space<vmem>>[vector<16xi32>], vector<16xf32>,
        %gather3A_435 = tpu.vector_load_idx %arg6[%add3A_415] : memref<80000xf32, #tpu.memory_space<vmem>>[vector<16xi32>], vector<16xf32>,
        %gather3A_436 = tpu.vector_load_idx %arg6[%add3A_418] : memref<80000xf32, #tpu.memory_space<vmem>>[vector<16xi32>], vector<16xf32>,
        %gather3A_437 = tpu.vector_load_idx %arg6[%add3A_421] : memref<80000xf32, #tpu.memory_space<vmem>>[vector<16xi32>], vector<16xf32>,
        %gather3A_438 = tpu.vector_load_idx %arg6[%add3A_424] : memref<80000xf32, #tpu.memory_space<vmem>>[vector<16xi32>], vector<16xf32>,
        %gather3A_439 = tpu.vector_load_idx %arg6[%add3A_427] : memref<80000xf32, #tpu.memory_space<vmem>>[vector<16xi32>], vector<16xf32>,
        %gather3A_440 = tpu.vector_load_idx %arg6[%add3A_430] : memref<80000xf32, #tpu.memory_space<vmem>>[vector<16xi32>], vector<16xf32>,
        %gather3A_441 = tpu.vector_load_idx %arg6[%add3A_433] : memref<80000xf32, #tpu.memory_space<vmem>>[vector<16xi32>], vector<16xf32>,
        %swap3A = arith.constant 0 : i32
        %swap3A_442 = arith.index_cast %swap3A : i32 to index
        %swap3A_443 = arith.index_cast %mul3A_402 : i32 to index
        %swap3A_444 = arith.constant 0 : index
        %swap3A_445 = tpu.vector_load %arg7[%swap3A_442, %swap3A_443, %swap3A_444] {strides = array<i32>} : memref<2x40x128xf32, #tpu.memory_space<vmem>>, vector<16xf32>,
        tpu.vector_store %arg7[%swap3A_442, %swap3A_443, %swap3A_444], %gather3A {strides = array<i32>} : memref<2x40x128xf32, #tpu.memory_space<vmem>>, vector<16xf32>,
        %swap3A_446 = arith.constant 0 : i32
        %swap3A_447 = arith.index_cast %swap3A_446 : i32 to index
        %swap3A_448 = arith.index_cast %mul3A_402 : i32 to index
        %swap3A_449 = arith.constant 16 : index
        %swap3A_450 = tpu.vector_load %arg7[%swap3A_447, %swap3A_448, %swap3A_449] {strides = array<i32>} : memref<2x40x128xf32, #tpu.memory_space<vmem>>, vector<16xf32>,
        tpu.vector_store %arg7[%swap3A_447, %swap3A_448, %swap3A_449], %gather3A_403 {strides = array<i32>} : memref<2x40x128xf32, #tpu.memory_space<vmem>>, vector<16xf32>,
        %swap3A_451 = arith.constant 0 : i32
        %swap3A_452 = arith.index_cast %swap3A_451 : i32 to index
        %swap3A_453 = arith.index_cast %mul3A_402 : i32 to index
        %swap3A_454 = arith.constant 32 : index
        %swap3A_455 = tpu.vector_load %arg7[%swap3A_452, %swap3A_453, %swap3A_454] {strides = array<i32>} : memref<2x40x128xf32, #tpu.memory_space<vmem>>, vector<16xf32>,
        tpu.vector_store %arg7[%swap3A_452, %swap3A_453, %swap3A_454], %gather3A_404 {strides = array<i32>} : memref<2x40x128xf32, #tpu.memory_space<vmem>>, vector<16xf32>,
        %swap3A_456 = arith.constant 0 : i32
        %swap3A_457 = arith.index_cast %swap3A_456 : i32 to index
        %swap3A_458 = arith.index_cast %mul3A_402 : i32 to index
        %swap3A_459 = arith.constant 48 : index
        %swap3A_460 = tpu.vector_load %arg7[%swap3A_457, %swap3A_458, %swap3A_459] {strides = array<i32>} : memref<2x40x128xf32, #tpu.memory_space<vmem>>, vector<16xf32>,
        tpu.vector_store %arg7[%swap3A_457, %swap3A_458, %swap3A_459], %gather3A_405 {strides = array<i32>} : memref<2x40x128xf32, #tpu.memory_space<vmem>>, vector<16xf32>,
        %swap3A_461 = arith.constant 0 : i32
        %swap3A_462 = arith.index_cast %swap3A_461 : i32 to index
        %swap3A_463 = arith.index_cast %mul3A_402 : i32 to index
        %swap3A_464 = arith.constant 64 : index
        %swap3A_465 = tpu.vector_load %arg7[%swap3A_462, %swap3A_463, %swap3A_464] {strides = array<i32>} : memref<2x40x128xf32, #tpu.memory_space<vmem>>, vector<16xf32>,
        tpu.vector_store %arg7[%swap3A_462, %swap3A_463, %swap3A_464], %gather3A_406 {strides = array<i32>} : memref<2x40x128xf32, #tpu.memory_space<vmem>>, vector<16xf32>,
        %swap3A_466 = arith.constant 0 : i32
        %swap3A_467 = arith.index_cast %swap3A_466 : i32 to index
        %swap3A_468 = arith.index_cast %mul3A_402 : i32 to index
        %swap3A_469 = arith.constant 80 : index
        %swap3A_470 = tpu.vector_load %arg7[%swap3A_467, %swap3A_468, %swap3A_469] {strides = array<i32>} : memref<2x40x128xf32, #tpu.memory_space<vmem>>, vector<16xf32>,
        tpu.vector_store %arg7[%swap3A_467, %swap3A_468, %swap3A_469], %gather3A_407 {strides = array<i32>} : memref<2x40x128xf32, #tpu.memory_space<vmem>>, vector<16xf32>,
        %swap3A_471 = arith.constant 0 : i32
        %swap3A_472 = arith.index_cast %swap3A_471 : i32 to index
        %swap3A_473 = arith.index_cast %mul3A_402 : i32 to index
        %swap3A_474 = arith.constant 96 : index
        %swap3A_475 = tpu.vector_load %arg7[%swap3A_472, %swap3A_473, %swap3A_474] {strides = array<i32>} : memref<2x40x128xf32, #tpu.memory_space<vmem>>, vector<16xf32>,
        tpu.vector_store %arg7[%swap3A_472, %swap3A_473, %swap3A_474], %gather3A_408 {strides = array<i32>} : memref<2x40x128xf32, #tpu.memory_space<vmem>>, vector<16xf32>,
        %swap3A_476 = arith.constant 0 : i32
        %swap3A_477 = arith.index_cast %swap3A_476 : i32 to index
        %swap3A_478 = arith.index_cast %mul3A_402 : i32 to index
        %swap3A_479 = arith.constant 112 : index
        %swap3A_480 = tpu.vector_load %arg7[%swap3A_477, %swap3A_478, %swap3A_479] {strides = array<i32>} : memref<2x40x128xf32, #tpu.memory_space<vmem>>, vector<16xf32>,
        tpu.vector_store %arg7[%swap3A_477, %swap3A_478, %swap3A_479], %gather3A_409 {strides = array<i32>} : memref<2x40x128xf32, #tpu.memory_space<vmem>>, vector<16xf32>,
        %add3A_481 = arith.constant 1 : i32
        %add3A_482 = arith.addi %mul3A_402, %add3A_481 : i32
        %swap3A_483 = arith.constant 0 : i32
        %swap3A_484 = arith.index_cast %swap3A_483 : i32 to index
        %swap3A_485 = arith.index_cast %add3A_482 : i32 to index
        %swap3A_486 = arith.constant 0 : index
        %swap3A_487 = tpu.vector_load %arg7[%swap3A_484, %swap3A_485, %swap3A_486] {strides = array<i32>} : memref<2x40x128xf32, #tpu.memory_space<vmem>>, vector<16xf32>,
        tpu.vector_store %arg7[%swap3A_484, %swap3A_485, %swap3A_486], %gather3A_434 {strides = array<i32>} : memref<2x40x128xf32, #tpu.memory_space<vmem>>, vector<16xf32>,
        %add3A_488 = arith.constant 1 : i32
        %add3A_489 = arith.addi %mul3A_402, %add3A_488 : i32
        %swap3A_490 = arith.constant 0 : i32
        %swap3A_491 = arith.index_cast %swap3A_490 : i32 to index
        %swap3A_492 = arith.index_cast %add3A_489 : i32 to index
        %swap3A_493 = arith.constant 16 : index
        %swap3A_494 = tpu.vector_load %arg7[%swap3A_491, %swap3A_492, %swap3A_493] {strides = array<i32>} : memref<2x40x128xf32, #tpu.memory_space<vmem>>, vector<16xf32>,
        tpu.vector_store %arg7[%swap3A_491, %swap3A_492, %swap3A_493], %gather3A_435 {strides = array<i32>} : memref<2x40x128xf32, #tpu.memory_space<vmem>>, vector<16xf32>,
        %add3A_495 = arith.constant 1 : i32
        %add3A_496 = arith.addi %mul3A_402, %add3A_495 : i32
        %swap3A_497 = arith.constant 0 : i32
        %swap3A_498 = arith.index_cast %swap3A_497 : i32 to index
        %swap3A_499 = arith.index_cast %add3A_496 : i32 to index
        %swap3A_500 = arith.constant 32 : index
        %swap3A_501 = tpu.vector_load %arg7[%swap3A_498, %swap3A_499, %swap3A_500] {strides = array<i32>} : memref<2x40x128xf32, #tpu.memory_space<vmem>>, vector<16xf32>,
        tpu.vector_store %arg7[%swap3A_498, %swap3A_499, %swap3A_500], %gather3A_436 {strides = array<i32>} : memref<2x40x128xf32, #tpu.memory_space<vmem>>, vector<16xf32>,
        %add3A_502 = arith.constant 1 : i32
        %add3A_503 = arith.addi %mul3A_402, %add3A_502 : i32
        %swap3A_504 = arith.constant 0 : i32
        %swap3A_505 = arith.index_cast %swap3A_504 : i32 to index
        %swap3A_506 = arith.index_cast %add3A_503 : i32 to index
        %swap3A_507 = arith.constant 48 : index
        %swap3A_508 = tpu.vector_load %arg7[%swap3A_505, %swap3A_506, %swap3A_507] {strides = array<i32>} : memref<2x40x128xf32, #tpu.memory_space<vmem>>, vector<16xf32>,
        tpu.vector_store %arg7[%swap3A_505, %swap3A_506, %swap3A_507], %gather3A_437 {strides = array<i32>} : memref<2x40x128xf32, #tpu.memory_space<vmem>>, vector<16xf32>,
        %add3A_509 = arith.constant 1 : i32
        %add3A_510 = arith.addi %mul3A_402, %add3A_509 : i32
        %swap3A_511 = arith.constant 0 : i32
        %swap3A_512 = arith.index_cast %swap3A_511 : i32 to index
        %swap3A_513 = arith.index_cast %add3A_510 : i32 to index
        %swap3A_514 = arith.constant 64 : index
        %swap3A_515 = tpu.vector_load %arg7[%swap3A_512, %swap3A_513, %swap3A_514] {strides = array<i32>} : memref<2x40x128xf32, #tpu.memory_space<vmem>>, vector<16xf32>,
        tpu.vector_store %arg7[%swap3A_512, %swap3A_513, %swap3A_514], %gather3A_438 {strides = array<i32>} : memref<2x40x128xf32, #tpu.memory_space<vmem>>, vector<16xf32>,
        %add3A_516 = arith.constant 1 : i32
        %add3A_517 = arith.addi %mul3A_402, %add3A_516 : i32
        %swap3A_518 = arith.constant 0 : i32
        %swap3A_519 = arith.index_cast %swap3A_518 : i32 to index
        %swap3A_520 = arith.index_cast %add3A_517 : i32 to index
        %swap3A_521 = arith.constant 80 : index
        %swap3A_522 = tpu.vector_load %arg7[%swap3A_519, %swap3A_520, %swap3A_521] {strides = array<i32>} : memref<2x40x128xf32, #tpu.memory_space<vmem>>, vector<16xf32>,
        tpu.vector_store %arg7[%swap3A_519, %swap3A_520, %swap3A_521], %gather3A_439 {strides = array<i32>} : memref<2x40x128xf32, #tpu.memory_space<vmem>>, vector<16xf32>,
        %add3A_523 = arith.constant 1 : i32
        %add3A_524 = arith.addi %mul3A_402, %add3A_523 : i32
        %swap3A_525 = arith.constant 0 : i32
        %swap3A_526 = arith.index_cast %swap3A_525 : i32 to index
        %swap3A_527 = arith.index_cast %add3A_524 : i32 to index
        %swap3A_528 = arith.constant 96 : index
        %swap3A_529 = tpu.vector_load %arg7[%swap3A_526, %swap3A_527, %swap3A_528] {strides = array<i32>} : memref<2x40x128xf32, #tpu.memory_space<vmem>>, vector<16xf32>,
        tpu.vector_store %arg7[%swap3A_526, %swap3A_527, %swap3A_528], %gather3A_440 {strides = array<i32>} : memref<2x40x128xf32, #tpu.memory_space<vmem>>, vector<16xf32>,
        %add3A_530 = arith.constant 1 : i32
        %add3A_531 = arith.addi %mul3A_402, %add3A_530 : i32
        %swap3A_532 = arith.constant 0 : i32
        %swap3A_533 = arith.index_cast %swap3A_532 : i32 to index
        %swap3A_534 = arith.index_cast %add3A_531 : i32 to index
        %swap3A_535 = arith.constant 112 : index
        %swap3A_536 = tpu.vector_load %arg7[%swap3A_533, %swap3A_534, %swap3A_535] {strides = array<i32>} : memref<2x40x128xf32, #tpu.memory_space<vmem>>, vector<16xf32>,
        tpu.vector_store %arg7[%swap3A_533, %swap3A_534, %swap3A_535], %gather3A_441 {strides = array<i32>} : memref<2x40x128xf32, #tpu.memory_space<vmem>>, vector<16xf32>,
        %add3A_537 = arith.constant 1000 : i32
        %add3A_538 = vector.broadcast %add3A_537 : i32 to vector<16xi32>
        %add3A_539 = arith.addi %add3A_412, %add3A_538 : vector<16xi32>
        %add3A_540 = arith.constant 1000 : i32
        %add3A_541 = vector.broadcast %add3A_540 : i32 to vector<16xi32>
        %add3A_542 = arith.addi %add3A_415, %add3A_541 : vector<16xi32>
        %add3A_543 = arith.constant 1000 : i32
        %add3A_544 = vector.broadcast %add3A_543 : i32 to vector<16xi32>
        %add3A_545 = arith.addi %add3A_418, %add3A_544 : vector<16xi32>
        %add3A_546 = arith.constant 1000 : i32
        %add3A_547 = vector.broadcast %add3A_546 : i32 to vector<16xi32>
        %add3A_548 = arith.addi %add3A_421, %add3A_547 : vector<16xi32>
        %add3A_549 = arith.constant 1000 : i32
        %add3A_550 = vector.broadcast %add3A_549 : i32 to vector<16xi32>
        %add3A_551 = arith.addi %add3A_424, %add3A_550 : vector<16xi32>
        %add3A_552 = arith.constant 1000 : i32
        %add3A_553 = vector.broadcast %add3A_552 : i32 to vector<16xi32>
        %add3A_554 = arith.addi %add3A_427, %add3A_553 : vector<16xi32>
        %add3A_555 = arith.constant 1000 : i32
        %add3A_556 = vector.broadcast %add3A_555 : i32 to vector<16xi32>
        %add3A_557 = arith.addi %add3A_430, %add3A_556 : vector<16xi32>
        %add3A_558 = arith.constant 1000 : i32
        %add3A_559 = vector.broadcast %add3A_558 : i32 to vector<16xi32>
        %add3A_560 = arith.addi %add3A_433, %add3A_559 : vector<16xi32>
        scf.yield %add3A_539, %add3A_542, %add3A_545, %add3A_548, %add3A_551, %add3A_554, %add3A_557, %add3A_560 : vector<16xi32>, vector<16xi32>, vector<16xi32>, vector<16xi32>, vector<16xi32>, vector<16xi32>, vector<16xi32>, vector<16xi32>
      }
      %scan3A_216 = arith.constant 20 : i32
      %mul3A_217 = arith.constant 32 : i32
      %mul3A_218 = arith.muli %mul3A_217, %rem3A_137 : i32
      %add3A_219 = arith.addi %add3A, %mul3A_218 : i32
      %jit3A_220 = arith.constant 8 : i32
      %div3A_221 = arith.divsi %add3A_219, %jit3A_220 : i32
      %sign3A_222 = arith.constant 0 : i32
      %sign3A_223 = arith.cmpi sgt, %add3A_219, %sign3A_222 : i32
      %sign3A_224 = arith.extui %sign3A_223 : i1 to i32
      %sign3A_225 = arith.constant 0 : i32
      %sign3A_226 = arith.cmpi slt, %add3A_219, %sign3A_225 : i32
      %sign3A_227 = arith.extui %sign3A_226 : i1 to i32
      %sign3A_228 = arith.subi %sign3A_224, %sign3A_227 : i32
      %sign3A_229 = arith.constant 0 : i32
      %sign3A_230 = arith.cmpi sgt, %jit3A_220, %sign3A_229 : i32
      %sign3A_231 = arith.extui %sign3A_230 : i1 to i32
      %sign3A_232 = arith.constant 0 : i32
      %sign3A_233 = arith.cmpi slt, %jit3A_220, %sign3A_232 : i32
      %sign3A_234 = arith.extui %sign3A_233 : i1 to i32
      %sign3A_235 = arith.subi %sign3A_231, %sign3A_234 : i32
      %ne3A_236 = arith.cmpi ne, %sign3A_228, %sign3A_235 : i32
      %rem3A_237 = arith.remsi %add3A_219, %jit3A_220 : i32
      %ne3A_238 = arith.constant 0 : i32
      %ne3A_239 = arith.cmpi ne, %rem3A_237, %ne3A_238 : i32
      %and3A_240 = arith.andi %ne3A_236, %ne3A_239 : i1
      %sub3A_241 = arith.constant 1 : i32
      %sub3A_242 = arith.subi %div3A_221, %sub3A_241 : i32
      %select_n3A_243 = arith.select %and3A_240, %sub3A_242, %div3A_221 : i32
      %rem3A_244 = arith.constant 8 : i32
      %rem3A_245 = arith.remsi %add3A_219, %rem3A_244 : i32
      %mul3A_246 = arith.constant 40 : i32
      %mul3A_247 = arith.muli %select_n3A_135, %mul3A_246 : i32
      %mul3A_248 = arith.constant 128 : i32
      %mul3A_249 = arith.muli %rem3A_245, %mul3A_248 : i32
      %dma_start3A_250 = arith.constant 0 : i32
      %dma_start3A_251 = arith.constant 0 : i32
      %dma_start3A_252 = arith.constant 0 : i32
      %dma_start3A_253 = arith.constant 0 : i32
      %dma_start3A_254 = tpu.memref_slice %arg7[%dma_start3A_250, %dma_start3A_252, %dma_start3A_253] : memref<2x40x128xf32, #tpu.memory_space<vmem>> -> memref<1x40x128xf32, #tpu.memory_space<vmem>>
      %dma_start3A_255 = tpu.memref_squeeze %dma_start3A_254 : memref<1x40x128xf32, #tpu.memory_space<vmem>> -> memref<40x128xf32, #tpu.memory_space<vmem>>
      %dma_start3A_256 = tpu.memref_slice %arg4[%select_n3A_243, %mul3A_247, %mul3A_249] : memref<200x1000x1024xf32, #tpu.memory_space<hbm>> -> memref<1x40x128xf32, #tpu.memory_space<hbm>>
      %dma_start3A_257 = tpu.memref_squeeze %dma_start3A_256 : memref<1x40x128xf32, #tpu.memory_space<hbm>> -> memref<40x128xf32, #tpu.memory_space<hbm>>
      %dma_start3A_258 = tpu.memref_slice %arg8[%dma_start3A_251] : memref<2x!tpu.dma_semaphore, #tpu.memory_space<semaphore_mem>> -> memref<1x!tpu.dma_semaphore, #tpu.memory_space<semaphore_mem>>
      %dma_start3A_259 = tpu.memref_squeeze %dma_start3A_258 : memref<1x!tpu.dma_semaphore, #tpu.memory_space<semaphore_mem>> -> memref<!tpu.dma_semaphore, #tpu.memory_space<semaphore_mem>>
      %dma_start3A_260 = tpu.memref_slice %arg4[%select_n3A_243, %mul3A_247, %mul3A_249] : memref<200x1000x1024xf32, #tpu.memory_space<hbm>> -> memref<1x40x128xf32, #tpu.memory_space<hbm>>
      %dma_start3A_261 = tpu.memref_squeeze %dma_start3A_260 : memref<1x40x128xf32, #tpu.memory_space<hbm>> -> memref<40x128xf32, #tpu.memory_space<hbm>>
      %dma_start3A_262 = arith.constant 0 : i32
      %dma_start3A_263 = arith.constant 0 : i32
      %dma_start3A_264 = tpu.memref_slice %arg7[%dma_start3A_250, %dma_start3A_262, %dma_start3A_263] : memref<2x40x128xf32, #tpu.memory_space<vmem>> -> memref<1x40x128xf32, #tpu.memory_space<vmem>>
      %dma_start3A_265 = tpu.memref_squeeze %dma_start3A_264 : memref<1x40x128xf32, #tpu.memory_space<vmem>> -> memref<40x128xf32, #tpu.memory_space<vmem>>
      tpu.enqueue_dma source(%dma_start3A_265 : memref<40x128xf32, #tpu.memory_space<vmem>>) target(%dma_start3A_261 : memref<40x128xf32, #tpu.memory_space<hbm>>) target_semaphore(%dma_start3A_259 : memref<!tpu.dma_semaphore, #tpu.memory_space<semaphore_mem>>)
      %ge3A_266 = arith.constant 1 : i32
      %ge3A_267 = arith.cmpi sge, %scan3A_109, %ge3A_266 : i32
      %convert_element_type3A_268 = arith.extui %ge3A_267 : i1 to i32
      %cond3A_269 = arith.constant 0 : i32
      %cond3A_270 = arith.cmpi ne, %convert_element_type3A_268, %cond3A_269 : i32
      scf.if %cond3A_270 {
        %add3A_392 = arith.constant 1 : i32
        %add3A_393 = arith.addi %rem3A_137, %add3A_392 : i32
        %mul3A_394 = arith.constant 32 : i32
        %mul3A_395 = arith.muli %mul3A_394, %add3A_393 : i32
        %add3A_396 = arith.addi %add3A, %mul3A_395 : i32
        %jit3A_397 = arith.constant 8 : i32
        %div3A_398 = arith.divsi %add3A_396, %jit3A_397 : i32
        %sign3A_399 = arith.constant 0 : i32
        %sign3A_400 = arith.cmpi sgt, %add3A_396, %sign3A_399 : i32
        %sign3A_401 = arith.extui %sign3A_400 : i1 to i32
        %sign3A_402 = arith.constant 0 : i32
        %sign3A_403 = arith.cmpi slt, %add3A_396, %sign3A_402 : i32
        %sign3A_404 = arith.extui %sign3A_403 : i1 to i32
        %sign3A_405 = arith.subi %sign3A_401, %sign3A_404 : i32
        %sign3A_406 = arith.constant 0 : i32
        %sign3A_407 = arith.cmpi sgt, %jit3A_397, %sign3A_406 : i32
        %sign3A_408 = arith.extui %sign3A_407 : i1 to i32
        %sign3A_409 = arith.constant 0 : i32
        %sign3A_410 = arith.cmpi slt, %jit3A_397, %sign3A_409 : i32
        %sign3A_411 = arith.extui %sign3A_410 : i1 to i32
        %sign3A_412 = arith.subi %sign3A_408, %sign3A_411 : i32
        %ne3A_413 = arith.cmpi ne, %sign3A_405, %sign3A_412 : i32
        %rem3A_414 = arith.remsi %add3A_396, %jit3A_397 : i32
        %ne3A_415 = arith.constant 0 : i32
        %ne3A_416 = arith.cmpi ne, %rem3A_414, %ne3A_415 : i32
        %and3A_417 = arith.andi %ne3A_413, %ne3A_416 : i1
        %sub3A_418 = arith.constant 1 : i32
        %sub3A_419 = arith.subi %div3A_398, %sub3A_418 : i32
        %select_n3A_420 = arith.select %and3A_417, %sub3A_419, %div3A_398 : i32
        %rem3A_421 = arith.constant 8 : i32
        %rem3A_422 = arith.remsi %add3A_396, %rem3A_421 : i32
        %mul3A_423 = arith.constant 40 : i32
        %mul3A_424 = arith.muli %select_n3A_135, %mul3A_423 : i32
        %mul3A_425 = arith.constant 128 : i32
        %mul3A_426 = arith.muli %rem3A_422, %mul3A_425 : i32
        %dma_wait3A_427 = arith.constant 1 : i32
        %dma_wait3A_428 = arith.constant 1 : i32
        %dma_wait3A_429 = arith.constant 0 : i32
        %dma_wait3A_430 = arith.constant 0 : i32
        %dma_wait3A_431 = tpu.memref_slice %arg7[%dma_wait3A_427, %dma_wait3A_429, %dma_wait3A_430] : memref<2x40x128xf32, #tpu.memory_space<vmem>> -> memref<1x40x128xf32, #tpu.memory_space<vmem>>
        %dma_wait3A_432 = tpu.memref_squeeze %dma_wait3A_431 : memref<1x40x128xf32, #tpu.memory_space<vmem>> -> memref<40x128xf32, #tpu.memory_space<vmem>>
        %dma_wait3A_433 = tpu.memref_slice %arg4[%select_n3A_420, %mul3A_424, %mul3A_426] : memref<200x1000x1024xf32, #tpu.memory_space<hbm>> -> memref<1x40x128xf32, #tpu.memory_space<hbm>>
        %dma_wait3A_434 = tpu.memref_squeeze %dma_wait3A_433 : memref<1x40x128xf32, #tpu.memory_space<hbm>> -> memref<40x128xf32, #tpu.memory_space<hbm>>
        %dma_wait3A_435 = tpu.memref_slice %arg8[%dma_wait3A_428] : memref<2x!tpu.dma_semaphore, #tpu.memory_space<semaphore_mem>> -> memref<1x!tpu.dma_semaphore, #tpu.memory_space<semaphore_mem>>
        %dma_wait3A_436 = tpu.memref_squeeze %dma_wait3A_435 : memref<1x!tpu.dma_semaphore, #tpu.memory_space<semaphore_mem>> -> memref<!tpu.dma_semaphore, #tpu.memory_space<semaphore_mem>>
        %dma_wait3A_437 = tpu.memref_slice %arg4[%select_n3A_420, %mul3A_424, %mul3A_426] : memref<200x1000x1024xf32, #tpu.memory_space<hbm>> -> memref<1x40x128xf32, #tpu.memory_space<hbm>>
        %dma_wait3A_438 = tpu.memref_squeeze %dma_wait3A_437 : memref<1x40x128xf32, #tpu.memory_space<hbm>> -> memref<40x128xf32, #tpu.memory_space<hbm>>
        %dma_wait3A_439 = arith.constant 0 : i32
        %dma_wait3A_440 = arith.constant 0 : i32
        %dma_wait3A_441 = tpu.memref_slice %arg7[%dma_wait3A_427, %dma_wait3A_439, %dma_wait3A_440] : memref<2x40x128xf32, #tpu.memory_space<vmem>> -> memref<1x40x128xf32, #tpu.memory_space<vmem>>
        %dma_wait3A_442 = tpu.memref_squeeze %dma_wait3A_441 : memref<1x40x128xf32, #tpu.memory_space<vmem>> -> memref<40x128xf32, #tpu.memory_space<vmem>>
        tpu.wait_dma2 semaphore(%dma_wait3A_436 : memref<!tpu.dma_semaphore, #tpu.memory_space<semaphore_mem>>) src(%dma_wait3A_442 : memref<40x128xf32, #tpu.memory_space<vmem>>) dst(%dma_wait3A_438 : memref<40x128xf32, #tpu.memory_space<hbm>>)
      } else {
      }
      %add3A_271 = arith.constant 1 : i32
      %add3A_272 = arith.addi %rem3A_137, %add3A_271 : i32
      %mul3A_273 = arith.constant 128 : i32
      %mul3A_274 = arith.muli %add3A_272, %mul3A_273 : i32
      %add3A_275 = arith.constant 0 : i32
      %add3A_276 = arith.addi %mul3A_274, %add3A_275 : i32
      %get3A_277 = arith.index_cast %add3A_276 : i32 to index
      %get3A_278 = tpu.vector_load %arg5[%get3A_277] {strides = array<i32>} : memref<6400xi32, #tpu.memory_space<vmem>>, vector<16xi32>,
      %add3A_279 = vector.broadcast %mul3A_143 : i32 to vector<16xi32>
      %add3A_280 = arith.addi %get3A_278, %add3A_279 : vector<16xi32>
      %mul3A_281 = arith.constant 128 : i32
      %mul3A_282 = arith.muli %add3A_272, %mul3A_281 : i32
      %add3A_283 = arith.constant 16 : i32
      %add3A_284 = arith.addi %mul3A_282, %add3A_283 : i32
      %get3A_285 = arith.index_cast %add3A_284 : i32 to index
      %get3A_286 = tpu.vector_load %arg5[%get3A_285] {strides = array<i32>} : memref<6400xi32, #tpu.memory_space<vmem>>, vector<16xi32>,
      %add3A_287 = vector.broadcast %mul3A_143 : i32 to vector<16xi32>
      %add3A_288 = arith.addi %get3A_286, %add3A_287 : vector<16xi32>
      %mul3A_289 = arith.constant 128 : i32
      %mul3A_290 = arith.muli %add3A_272, %mul3A_289 : i32
      %add3A_291 = arith.constant 32 : i32
      %add3A_292 = arith.addi %mul3A_290, %add3A_291 : i32
      %get3A_293 = arith.index_cast %add3A_292 : i32 to index
      %get3A_294 = tpu.vector_load %arg5[%get3A_293] {strides = array<i32>} : memref<6400xi32, #tpu.memory_space<vmem>>, vector<16xi32>,
      %add3A_295 = vector.broadcast %mul3A_143 : i32 to vector<16xi32>
      %add3A_296 = arith.addi %get3A_294, %add3A_295 : vector<16xi32>
      %mul3A_297 = arith.constant 128 : i32
      %mul3A_298 = arith.muli %add3A_272, %mul3A_297 : i32
      %add3A_299 = arith.constant 48 : i32
      %add3A_300 = arith.addi %mul3A_298, %add3A_299 : i32
      %get3A_301 = arith.index_cast %add3A_300 : i32 to index
      %get3A_302 = tpu.vector_load %arg5[%get3A_301] {strides = array<i32>} : memref<6400xi32, #tpu.memory_space<vmem>>, vector<16xi32>,
      %add3A_303 = vector.broadcast %mul3A_143 : i32 to vector<16xi32>
      %add3A_304 = arith.addi %get3A_302, %add3A_303 : vector<16xi32>
      %mul3A_305 = arith.constant 128 : i32
      %mul3A_306 = arith.muli %add3A_272, %mul3A_305 : i32
      %add3A_307 = arith.constant 64 : i32
      %add3A_308 = arith.addi %mul3A_306, %add3A_307 : i32
      %get3A_309 = arith.index_cast %add3A_308 : i32 to index
      %get3A_310 = tpu.vector_load %arg5[%get3A_309] {strides = array<i32>} : memref<6400xi32, #tpu.memory_space<vmem>>, vector<16xi32>,
      %add3A_311 = vector.broadcast %mul3A_143 : i32 to vector<16xi32>
      %add3A_312 = arith.addi %get3A_310, %add3A_311 : vector<16xi32>
      %mul3A_313 = arith.constant 128 : i32
      %mul3A_314 = arith.muli %add3A_272, %mul3A_313 : i32
      %add3A_315 = arith.constant 80 : i32
      %add3A_316 = arith.addi %mul3A_314, %add3A_315 : i32
      %get3A_317 = arith.index_cast %add3A_316 : i32 to index
      %get3A_318 = tpu.vector_load %arg5[%get3A_317] {strides = array<i32>} : memref<6400xi32, #tpu.memory_space<vmem>>, vector<16xi32>,
      %add3A_319 = vector.broadcast %mul3A_143 : i32 to vector<16xi32>
      %add3A_320 = arith.addi %get3A_318, %add3A_319 : vector<16xi32>
      %mul3A_321 = arith.constant 128 : i32
      %mul3A_322 = arith.muli %add3A_272, %mul3A_321 : i32
      %add3A_323 = arith.constant 96 : i32
      %add3A_324 = arith.addi %mul3A_322, %add3A_323 : i32
      %get3A_325 = arith.index_cast %add3A_324 : i32 to index
      %get3A_326 = tpu.vector_load %arg5[%get3A_325] {strides = array<i32>} : memref<6400xi32, #tpu.memory_space<vmem>>, vector<16xi32>,
      %add3A_327 = vector.broadcast %mul3A_143 : i32 to vector<16xi32>
      %add3A_328 = arith.addi %get3A_326, %add3A_327 : vector<16xi32>
      %mul3A_329 = arith.constant 128 : i32
      %mul3A_330 = arith.muli %add3A_272, %mul3A_329 : i32
      %add3A_331 = arith.constant 112 : i32
      %add3A_332 = arith.addi %mul3A_330, %add3A_331 : i32
      %get3A_333 = arith.index_cast %add3A_332 : i32 to index
      %get3A_334 = tpu.vector_load %arg5[%get3A_333] {strides = array<i32>} : memref<6400xi32, #tpu.memory_space<vmem>>, vector<16xi32>,
      %add3A_335 = vector.broadcast %mul3A_143 : i32 to vector<16xi32>
      %add3A_336 = arith.addi %get3A_334, %add3A_335 : vector<16xi32>
      %scan3A_337 = arith.constant 0 : i32
      %scan3A_338 = arith.constant 20 : i32
      %scan3A_339 = arith.addi %scan3A_337, %scan3A_338 : i32
      %scan3A_340 = arith.constant 1 : i32
      %scan3A_341:8 = scf.for %scan3A_392 = %scan3A_337 to %scan3A_339 step %scan3A_340 iter_args(%scan3A_393 = %add3A_280, %scan3A_394 = %add3A_288, %scan3A_395 = %add3A_296, %scan3A_396 = %add3A_304, %scan3A_397 = %add3A_312, %scan3A_398 = %add3A_320, %scan3A_399 = %add3A_328, %scan3A_400 = %add3A_336) -> (vector<16xi32>, vector<16xi32>, vector<16xi32>, vector<16xi32>, vector<16xi32>, vector<16xi32>, vector<16xi32>, vector<16xi32>)  : i32 {
        %mul3A_401 = arith.constant 2 : i32
        %mul3A_402 = arith.muli %mul3A_401, %scan3A_392 : i32
        %gather3A = tpu.vector_load_idx %arg6[%scan3A_393] : memref<80000xf32, #tpu.memory_space<vmem>>[vector<16xi32>], vector<16xf32>,
        %gather3A_403 = tpu.vector_load_idx %arg6[%scan3A_394] : memref<80000xf32, #tpu.memory_space<vmem>>[vector<16xi32>], vector<16xf32>,
        %gather3A_404 = tpu.vector_load_idx %arg6[%scan3A_395] : memref<80000xf32, #tpu.memory_space<vmem>>[vector<16xi32>], vector<16xf32>,
        %gather3A_405 = tpu.vector_load_idx %arg6[%scan3A_396] : memref<80000xf32, #tpu.memory_space<vmem>>[vector<16xi32>], vector<16xf32>,
        %gather3A_406 = tpu.vector_load_idx %arg6[%scan3A_397] : memref<80000xf32, #tpu.memory_space<vmem>>[vector<16xi32>], vector<16xf32>,
        %gather3A_407 = tpu.vector_load_idx %arg6[%scan3A_398] : memref<80000xf32, #tpu.memory_space<vmem>>[vector<16xi32>], vector<16xf32>,
        %gather3A_408 = tpu.vector_load_idx %arg6[%scan3A_399] : memref<80000xf32, #tpu.memory_space<vmem>>[vector<16xi32>], vector<16xf32>,
        %gather3A_409 = tpu.vector_load_idx %arg6[%scan3A_400] : memref<80000xf32, #tpu.memory_space<vmem>>[vector<16xi32>], vector<16xf32>,
        %add3A_410 = arith.constant 1000 : i32
        %add3A_411 = vector.broadcast %add3A_410 : i32 to vector<16xi32>
        %add3A_412 = arith.addi %scan3A_393, %add3A_411 : vector<16xi32>
        %add3A_413 = arith.constant 1000 : i32
        %add3A_414 = vector.broadcast %add3A_413 : i32 to vector<16xi32>
        %add3A_415 = arith.addi %scan3A_394, %add3A_414 : vector<16xi32>
        %add3A_416 = arith.constant 1000 : i32
        %add3A_417 = vector.broadcast %add3A_416 : i32 to vector<16xi32>
        %add3A_418 = arith.addi %scan3A_395, %add3A_417 : vector<16xi32>
        %add3A_419 = arith.constant 1000 : i32
        %add3A_420 = vector.broadcast %add3A_419 : i32 to vector<16xi32>
        %add3A_421 = arith.addi %scan3A_396, %add3A_420 : vector<16xi32>
        %add3A_422 = arith.constant 1000 : i32
        %add3A_423 = vector.broadcast %add3A_422 : i32 to vector<16xi32>
        %add3A_424 = arith.addi %scan3A_397, %add3A_423 : vector<16xi32>
        %add3A_425 = arith.constant 1000 : i32
        %add3A_426 = vector.broadcast %add3A_425 : i32 to vector<16xi32>
        %add3A_427 = arith.addi %scan3A_398, %add3A_426 : vector<16xi32>
        %add3A_428 = arith.constant 1000 : i32
        %add3A_429 = vector.broadcast %add3A_428 : i32 to vector<16xi32>
        %add3A_430 = arith.addi %scan3A_399, %add3A_429 : vector<16xi32>
        %add3A_431 = arith.constant 1000 : i32
        %add3A_432 = vector.broadcast %add3A_431 : i32 to vector<16xi32>
        %add3A_433 = arith.addi %scan3A_400, %add3A_432 : vector<16xi32>
        %gather3A_434 = tpu.vector_load_idx %arg6[%add3A_412] : memref<80000xf32, #tpu.memory_space<vmem>>[vector<16xi32>], vector<16xf32>,
        %gather3A_435 = tpu.vector_load_idx %arg6[%add3A_415] : memref<80000xf32, #tpu.memory_space<vmem>>[vector<16xi32>], vector<16xf32>,
        %gather3A_436 = tpu.vector_load_idx %arg6[%add3A_418] : memref<80000xf32, #tpu.memory_space<vmem>>[vector<16xi32>], vector<16xf32>,
        %gather3A_437 = tpu.vector_load_idx %arg6[%add3A_421] : memref<80000xf32, #tpu.memory_space<vmem>>[vector<16xi32>], vector<16xf32>,
        %gather3A_438 = tpu.vector_load_idx %arg6[%add3A_424] : memref<80000xf32, #tpu.memory_space<vmem>>[vector<16xi32>], vector<16xf32>,
        %gather3A_439 = tpu.vector_load_idx %arg6[%add3A_427] : memref<80000xf32, #tpu.memory_space<vmem>>[vector<16xi32>], vector<16xf32>,
        %gather3A_440 = tpu.vector_load_idx %arg6[%add3A_430] : memref<80000xf32, #tpu.memory_space<vmem>>[vector<16xi32>], vector<16xf32>,
        %gather3A_441 = tpu.vector_load_idx %arg6[%add3A_433] : memref<80000xf32, #tpu.memory_space<vmem>>[vector<16xi32>], vector<16xf32>,
        %swap3A = arith.constant 1 : i32
        %swap3A_442 = arith.index_cast %swap3A : i32 to index
        %swap3A_443 = arith.index_cast %mul3A_402 : i32 to index
        %swap3A_444 = arith.constant 0 : index
        %swap3A_445 = tpu.vector_load %arg7[%swap3A_442, %swap3A_443, %swap3A_444] {strides = array<i32>} : memref<2x40x128xf32, #tpu.memory_space<vmem>>, vector<16xf32>,
        tpu.vector_store %arg7[%swap3A_442, %swap3A_443, %swap3A_444], %gather3A {strides = array<i32>} : memref<2x40x128xf32, #tpu.memory_space<vmem>>, vector<16xf32>,
        %swap3A_446 = arith.constant 1 : i32
        %swap3A_447 = arith.index_cast %swap3A_446 : i32 to index
        %swap3A_448 = arith.index_cast %mul3A_402 : i32 to index
        %swap3A_449 = arith.constant 16 : index
        %swap3A_450 = tpu.vector_load %arg7[%swap3A_447, %swap3A_448, %swap3A_449] {strides = array<i32>} : memref<2x40x128xf32, #tpu.memory_space<vmem>>, vector<16xf32>,
        tpu.vector_store %arg7[%swap3A_447, %swap3A_448, %swap3A_449], %gather3A_403 {strides = array<i32>} : memref<2x40x128xf32, #tpu.memory_space<vmem>>, vector<16xf32>,
        %swap3A_451 = arith.constant 1 : i32
        %swap3A_452 = arith.index_cast %swap3A_451 : i32 to index
        %swap3A_453 = arith.index_cast %mul3A_402 : i32 to index
        %swap3A_454 = arith.constant 32 : index
        %swap3A_455 = tpu.vector_load %arg7[%swap3A_452, %swap3A_453, %swap3A_454] {strides = array<i32>} : memref<2x40x128xf32, #tpu.memory_space<vmem>>, vector<16xf32>,
        tpu.vector_store %arg7[%swap3A_452, %swap3A_453, %swap3A_454], %gather3A_404 {strides = array<i32>} : memref<2x40x128xf32, #tpu.memory_space<vmem>>, vector<16xf32>,
        %swap3A_456 = arith.constant 1 : i32
        %swap3A_457 = arith.index_cast %swap3A_456 : i32 to index
        %swap3A_458 = arith.index_cast %mul3A_402 : i32 to index
        %swap3A_459 = arith.constant 48 : index
        %swap3A_460 = tpu.vector_load %arg7[%swap3A_457, %swap3A_458, %swap3A_459] {strides = array<i32>} : memref<2x40x128xf32, #tpu.memory_space<vmem>>, vector<16xf32>,
        tpu.vector_store %arg7[%swap3A_457, %swap3A_458, %swap3A_459], %gather3A_405 {strides = array<i32>} : memref<2x40x128xf32, #tpu.memory_space<vmem>>, vector<16xf32>,
        %swap3A_461 = arith.constant 1 : i32
        %swap3A_462 = arith.index_cast %swap3A_461 : i32 to index
        %swap3A_463 = arith.index_cast %mul3A_402 : i32 to index
        %swap3A_464 = arith.constant 64 : index
        %swap3A_465 = tpu.vector_load %arg7[%swap3A_462, %swap3A_463, %swap3A_464] {strides = array<i32>} : memref<2x40x128xf32, #tpu.memory_space<vmem>>, vector<16xf32>,
        tpu.vector_store %arg7[%swap3A_462, %swap3A_463, %swap3A_464], %gather3A_406 {strides = array<i32>} : memref<2x40x128xf32, #tpu.memory_space<vmem>>, vector<16xf32>,
        %swap3A_466 = arith.constant 1 : i32
        %swap3A_467 = arith.index_cast %swap3A_466 : i32 to index
        %swap3A_468 = arith.index_cast %mul3A_402 : i32 to index
        %swap3A_469 = arith.constant 80 : index
        %swap3A_470 = tpu.vector_load %arg7[%swap3A_467, %swap3A_468, %swap3A_469] {strides = array<i32>} : memref<2x40x128xf32, #tpu.memory_space<vmem>>, vector<16xf32>,
        tpu.vector_store %arg7[%swap3A_467, %swap3A_468, %swap3A_469], %gather3A_407 {strides = array<i32>} : memref<2x40x128xf32, #tpu.memory_space<vmem>>, vector<16xf32>,
        %swap3A_471 = arith.constant 1 : i32
        %swap3A_472 = arith.index_cast %swap3A_471 : i32 to index
        %swap3A_473 = arith.index_cast %mul3A_402 : i32 to index
        %swap3A_474 = arith.constant 96 : index
        %swap3A_475 = tpu.vector_load %arg7[%swap3A_472, %swap3A_473, %swap3A_474] {strides = array<i32>} : memref<2x40x128xf32, #tpu.memory_space<vmem>>, vector<16xf32>,
        tpu.vector_store %arg7[%swap3A_472, %swap3A_473, %swap3A_474], %gather3A_408 {strides = array<i32>} : memref<2x40x128xf32, #tpu.memory_space<vmem>>, vector<16xf32>,
        %swap3A_476 = arith.constant 1 : i32
        %swap3A_477 = arith.index_cast %swap3A_476 : i32 to index
        %swap3A_478 = arith.index_cast %mul3A_402 : i32 to index
        %swap3A_479 = arith.constant 112 : index
        %swap3A_480 = tpu.vector_load %arg7[%swap3A_477, %swap3A_478, %swap3A_479] {strides = array<i32>} : memref<2x40x128xf32, #tpu.memory_space<vmem>>, vector<16xf32>,
        tpu.vector_store %arg7[%swap3A_477, %swap3A_478, %swap3A_479], %gather3A_409 {strides = array<i32>} : memref<2x40x128xf32, #tpu.memory_space<vmem>>, vector<16xf32>,
        %add3A_481 = arith.constant 1 : i32
        %add3A_482 = arith.addi %mul3A_402, %add3A_481 : i32
        %swap3A_483 = arith.constant 1 : i32
        %swap3A_484 = arith.index_cast %swap3A_483 : i32 to index
        %swap3A_485 = arith.index_cast %add3A_482 : i32 to index
        %swap3A_486 = arith.constant 0 : index
        %swap3A_487 = tpu.vector_load %arg7[%swap3A_484, %swap3A_485, %swap3A_486] {strides = array<i32>} : memref<2x40x128xf32, #tpu.memory_space<vmem>>, vector<16xf32>,
        tpu.vector_store %arg7[%swap3A_484, %swap3A_485, %swap3A_486], %gather3A_434 {strides = array<i32>} : memref<2x40x128xf32, #tpu.memory_space<vmem>>, vector<16xf32>,
        %add3A_488 = arith.constant 1 : i32
        %add3A_489 = arith.addi %mul3A_402, %add3A_488 : i32
        %swap3A_490 = arith.constant 1 : i32
        %swap3A_491 = arith.index_cast %swap3A_490 : i32 to index
        %swap3A_492 = arith.index_cast %add3A_489 : i32 to index
        %swap3A_493 = arith.constant 16 : index
        %swap3A_494 = tpu.vector_load %arg7[%swap3A_491, %swap3A_492, %swap3A_493] {strides = array<i32>} : memref<2x40x128xf32, #tpu.memory_space<vmem>>, vector<16xf32>,
        tpu.vector_store %arg7[%swap3A_491, %swap3A_492, %swap3A_493], %gather3A_435 {strides = array<i32>} : memref<2x40x128xf32, #tpu.memory_space<vmem>>, vector<16xf32>,
        %add3A_495 = arith.constant 1 : i32
        %add3A_496 = arith.addi %mul3A_402, %add3A_495 : i32
        %swap3A_497 = arith.constant 1 : i32
        %swap3A_498 = arith.index_cast %swap3A_497 : i32 to index
        %swap3A_499 = arith.index_cast %add3A_496 : i32 to index
        %swap3A_500 = arith.constant 32 : index
        %swap3A_501 = tpu.vector_load %arg7[%swap3A_498, %swap3A_499, %swap3A_500] {strides = array<i32>} : memref<2x40x128xf32, #tpu.memory_space<vmem>>, vector<16xf32>,
        tpu.vector_store %arg7[%swap3A_498, %swap3A_499, %swap3A_500], %gather3A_436 {strides = array<i32>} : memref<2x40x128xf32, #tpu.memory_space<vmem>>, vector<16xf32>,
        %add3A_502 = arith.constant 1 : i32
        %add3A_503 = arith.addi %mul3A_402, %add3A_502 : i32
        %swap3A_504 = arith.constant 1 : i32
        %swap3A_505 = arith.index_cast %swap3A_504 : i32 to index
        %swap3A_506 = arith.index_cast %add3A_503 : i32 to index
        %swap3A_507 = arith.constant 48 : index
        %swap3A_508 = tpu.vector_load %arg7[%swap3A_505, %swap3A_506, %swap3A_507] {strides = array<i32>} : memref<2x40x128xf32, #tpu.memory_space<vmem>>, vector<16xf32>,
        tpu.vector_store %arg7[%swap3A_505, %swap3A_506, %swap3A_507], %gather3A_437 {strides = array<i32>} : memref<2x40x128xf32, #tpu.memory_space<vmem>>, vector<16xf32>,
        %add3A_509 = arith.constant 1 : i32
        %add3A_510 = arith.addi %mul3A_402, %add3A_509 : i32
        %swap3A_511 = arith.constant 1 : i32
        %swap3A_512 = arith.index_cast %swap3A_511 : i32 to index
        %swap3A_513 = arith.index_cast %add3A_510 : i32 to index
        %swap3A_514 = arith.constant 64 : index
        %swap3A_515 = tpu.vector_load %arg7[%swap3A_512, %swap3A_513, %swap3A_514] {strides = array<i32>} : memref<2x40x128xf32, #tpu.memory_space<vmem>>, vector<16xf32>,
        tpu.vector_store %arg7[%swap3A_512, %swap3A_513, %swap3A_514], %gather3A_438 {strides = array<i32>} : memref<2x40x128xf32, #tpu.memory_space<vmem>>, vector<16xf32>,
        %add3A_516 = arith.constant 1 : i32
        %add3A_517 = arith.addi %mul3A_402, %add3A_516 : i32
        %swap3A_518 = arith.constant 1 : i32
        %swap3A_519 = arith.index_cast %swap3A_518 : i32 to index
        %swap3A_520 = arith.index_cast %add3A_517 : i32 to index
        %swap3A_521 = arith.constant 80 : index
        %swap3A_522 = tpu.vector_load %arg7[%swap3A_519, %swap3A_520, %swap3A_521] {strides = array<i32>} : memref<2x40x128xf32, #tpu.memory_space<vmem>>, vector<16xf32>,
        tpu.vector_store %arg7[%swap3A_519, %swap3A_520, %swap3A_521], %gather3A_439 {strides = array<i32>} : memref<2x40x128xf32, #tpu.memory_space<vmem>>, vector<16xf32>,
        %add3A_523 = arith.constant 1 : i32
        %add3A_524 = arith.addi %mul3A_402, %add3A_523 : i32
        %swap3A_525 = arith.constant 1 : i32
        %swap3A_526 = arith.index_cast %swap3A_525 : i32 to index
        %swap3A_527 = arith.index_cast %add3A_524 : i32 to index
        %swap3A_528 = arith.constant 96 : index
        %swap3A_529 = tpu.vector_load %arg7[%swap3A_526, %swap3A_527, %swap3A_528] {strides = array<i32>} : memref<2x40x128xf32, #tpu.memory_space<vmem>>, vector<16xf32>,
        tpu.vector_store %arg7[%swap3A_526, %swap3A_527, %swap3A_528], %gather3A_440 {strides = array<i32>} : memref<2x40x128xf32, #tpu.memory_space<vmem>>, vector<16xf32>,
        %add3A_530 = arith.constant 1 : i32
        %add3A_531 = arith.addi %mul3A_402, %add3A_530 : i32
        %swap3A_532 = arith.constant 1 : i32
        %swap3A_533 = arith.index_cast %swap3A_532 : i32 to index
        %swap3A_534 = arith.index_cast %add3A_531 : i32 to index
        %swap3A_535 = arith.constant 112 : index
        %swap3A_536 = tpu.vector_load %arg7[%swap3A_533, %swap3A_534, %swap3A_535] {strides = array<i32>} : memref<2x40x128xf32, #tpu.memory_space<vmem>>, vector<16xf32>,
        tpu.vector_store %arg7[%swap3A_533, %swap3A_534, %swap3A_535], %gather3A_441 {strides = array<i32>} : memref<2x40x128xf32, #tpu.memory_space<vmem>>, vector<16xf32>,
        %add3A_537 = arith.constant 1000 : i32
        %add3A_538 = vector.broadcast %add3A_537 : i32 to vector<16xi32>
        %add3A_539 = arith.addi %add3A_412, %add3A_538 : vector<16xi32>
        %add3A_540 = arith.constant 1000 : i32
        %add3A_541 = vector.broadcast %add3A_540 : i32 to vector<16xi32>
        %add3A_542 = arith.addi %add3A_415, %add3A_541 : vector<16xi32>
        %add3A_543 = arith.constant 1000 : i32
        %add3A_544 = vector.broadcast %add3A_543 : i32 to vector<16xi32>
        %add3A_545 = arith.addi %add3A_418, %add3A_544 : vector<16xi32>
        %add3A_546 = arith.constant 1000 : i32
        %add3A_547 = vector.broadcast %add3A_546 : i32 to vector<16xi32>
        %add3A_548 = arith.addi %add3A_421, %add3A_547 : vector<16xi32>
        %add3A_549 = arith.constant 1000 : i32
        %add3A_550 = vector.broadcast %add3A_549 : i32 to vector<16xi32>
        %add3A_551 = arith.addi %add3A_424, %add3A_550 : vector<16xi32>
        %add3A_552 = arith.constant 1000 : i32
        %add3A_553 = vector.broadcast %add3A_552 : i32 to vector<16xi32>
        %add3A_554 = arith.addi %add3A_427, %add3A_553 : vector<16xi32>
        %add3A_555 = arith.constant 1000 : i32
        %add3A_556 = vector.broadcast %add3A_555 : i32 to vector<16xi32>
        %add3A_557 = arith.addi %add3A_430, %add3A_556 : vector<16xi32>
        %add3A_558 = arith.constant 1000 : i32
        %add3A_559 = vector.broadcast %add3A_558 : i32 to vector<16xi32>
        %add3A_560 = arith.addi %add3A_433, %add3A_559 : vector<16xi32>
        scf.yield %add3A_539, %add3A_542, %add3A_545, %add3A_548, %add3A_551, %add3A_554, %add3A_557, %add3A_560 : vector<16xi32>, vector<16xi32>, vector<16xi32>, vector<16xi32>, vector<16xi32>, vector<16xi32>, vector<16xi32>, vector<16xi32>
      }
      %scan3A_342 = arith.constant 20 : i32
      %mul3A_343 = arith.constant 32 : i32
      %mul3A_344 = arith.muli %mul3A_343, %add3A_272 : i32
      %add3A_345 = arith.addi %add3A, %mul3A_344 : i32
      %jit3A_346 = arith.constant 8 : i32
      %div3A_347 = arith.divsi %add3A_345, %jit3A_346 : i32
      %sign3A_348 = arith.constant 0 : i32
      %sign3A_349 = arith.cmpi sgt, %add3A_345, %sign3A_348 : i32
      %sign3A_350 = arith.extui %sign3A_349 : i1 to i32
      %sign3A_351 = arith.constant 0 : i32
      %sign3A_352 = arith.cmpi slt, %add3A_345, %sign3A_351 : i32
      %sign3A_353 = arith.extui %sign3A_352 : i1 to i32
      %sign3A_354 = arith.subi %sign3A_350, %sign3A_353 : i32
      %sign3A_355 = arith.constant 0 : i32
      %sign3A_356 = arith.cmpi sgt, %jit3A_346, %sign3A_355 : i32
      %sign3A_357 = arith.extui %sign3A_356 : i1 to i32
      %sign3A_358 = arith.constant 0 : i32
      %sign3A_359 = arith.cmpi slt, %jit3A_346, %sign3A_358 : i32
      %sign3A_360 = arith.extui %sign3A_359 : i1 to i32
      %sign3A_361 = arith.subi %sign3A_357, %sign3A_360 : i32
      %ne3A_362 = arith.cmpi ne, %sign3A_354, %sign3A_361 : i32
      %rem3A_363 = arith.remsi %add3A_345, %jit3A_346 : i32
      %ne3A_364 = arith.constant 0 : i32
      %ne3A_365 = arith.cmpi ne, %rem3A_363, %ne3A_364 : i32
      %and3A_366 = arith.andi %ne3A_362, %ne3A_365 : i1
      %sub3A_367 = arith.constant 1 : i32
      %sub3A_368 = arith.subi %div3A_347, %sub3A_367 : i32
      %select_n3A_369 = arith.select %and3A_366, %sub3A_368, %div3A_347 : i32
      %rem3A_370 = arith.constant 8 : i32
      %rem3A_371 = arith.remsi %add3A_345, %rem3A_370 : i32
      %mul3A_372 = arith.constant 40 : i32
      %mul3A_373 = arith.muli %select_n3A_135, %mul3A_372 : i32
      %mul3A_374 = arith.constant 128 : i32
      %mul3A_375 = arith.muli %rem3A_371, %mul3A_374 : i32
      %dma_start3A_376 = arith.constant 1 : i32
      %dma_start3A_377 = arith.constant 1 : i32
      %dma_start3A_378 = arith.constant 0 : i32
      %dma_start3A_379 = arith.constant 0 : i32
      %dma_start3A_380 = tpu.memref_slice %arg7[%dma_start3A_376, %dma_start3A_378, %dma_start3A_379] : memref<2x40x128xf32, #tpu.memory_space<vmem>> -> memref<1x40x128xf32, #tpu.memory_space<vmem>>
      %dma_start3A_381 = tpu.memref_squeeze %dma_start3A_380 : memref<1x40x128xf32, #tpu.memory_space<vmem>> -> memref<40x128xf32, #tpu.memory_space<vmem>>
      %dma_start3A_382 = tpu.memref_slice %arg4[%select_n3A_369, %mul3A_373, %mul3A_375] : memref<200x1000x1024xf32, #tpu.memory_space<hbm>> -> memref<1x40x128xf32, #tpu.memory_space<hbm>>
      %dma_start3A_383 = tpu.memref_squeeze %dma_start3A_382 : memref<1x40x128xf32, #tpu.memory_space<hbm>> -> memref<40x128xf32, #tpu.memory_space<hbm>>
      %dma_start3A_384 = tpu.memref_slice %arg8[%dma_start3A_377] : memref<2x!tpu.dma_semaphore, #tpu.memory_space<semaphore_mem>> -> memref<1x!tpu.dma_semaphore, #tpu.memory_space<semaphore_mem>>
      %dma_start3A_385 = tpu.memref_squeeze %dma_start3A_384 : memref<1x!tpu.dma_semaphore, #tpu.memory_space<semaphore_mem>> -> memref<!tpu.dma_semaphore, #tpu.memory_space<semaphore_mem>>
      %dma_start3A_386 = tpu.memref_slice %arg4[%select_n3A_369, %mul3A_373, %mul3A_375] : memref<200x1000x1024xf32, #tpu.memory_space<hbm>> -> memref<1x40x128xf32, #tpu.memory_space<hbm>>
      %dma_start3A_387 = tpu.memref_squeeze %dma_start3A_386 : memref<1x40x128xf32, #tpu.memory_space<hbm>> -> memref<40x128xf32, #tpu.memory_space<hbm>>
      %dma_start3A_388 = arith.constant 0 : i32
      %dma_start3A_389 = arith.constant 0 : i32
      %dma_start3A_390 = tpu.memref_slice %arg7[%dma_start3A_376, %dma_start3A_388, %dma_start3A_389] : memref<2x40x128xf32, #tpu.memory_space<vmem>> -> memref<1x40x128xf32, #tpu.memory_space<vmem>>
      %dma_start3A_391 = tpu.memref_squeeze %dma_start3A_390 : memref<1x40x128xf32, #tpu.memory_space<vmem>> -> memref<40x128xf32, #tpu.memory_space<vmem>>
      tpu.enqueue_dma source(%dma_start3A_391 : memref<40x128xf32, #tpu.memory_space<vmem>>) target(%dma_start3A_387 : memref<40x128xf32, #tpu.memory_space<hbm>>) target_semaphore(%dma_start3A_385 : memref<!tpu.dma_semaphore, #tpu.memory_space<semaphore_mem>>)
    }
    %scan3A_21 = arith.constant 625 : i32
    %add3A_22 = arith.constant 1568 : i32
    %add3A_23 = arith.addi %add3A, %add3A_22 : i32
    %jit3A = arith.constant 8 : i32
    %div3A = arith.divsi %add3A_23, %jit3A : i32
    %sign3A = arith.constant 0 : i32
    %sign3A_24 = arith.cmpi sgt, %add3A_23, %sign3A : i32
    %sign3A_25 = arith.extui %sign3A_24 : i1 to i32
    %sign3A_26 = arith.constant 0 : i32
    %sign3A_27 = arith.cmpi slt, %add3A_23, %sign3A_26 : i32
    %sign3A_28 = arith.extui %sign3A_27 : i1 to i32
    %sign3A_29 = arith.subi %sign3A_25, %sign3A_28 : i32
    %sign3A_30 = arith.constant 0 : i32
    %sign3A_31 = arith.cmpi sgt, %jit3A, %sign3A_30 : i32
    %sign3A_32 = arith.extui %sign3A_31 : i1 to i32
    %sign3A_33 = arith.constant 0 : i32
    %sign3A_34 = arith.cmpi slt, %jit3A, %sign3A_33 : i32
    %sign3A_35 = arith.extui %sign3A_34 : i1 to i32
    %sign3A_36 = arith.subi %sign3A_32, %sign3A_35 : i32
    %ne3A = arith.cmpi ne, %sign3A_29, %sign3A_36 : i32
    %rem3A = arith.remsi %add3A_23, %jit3A : i32
    %ne3A_37 = arith.constant 0 : i32
    %ne3A_38 = arith.cmpi ne, %rem3A, %ne3A_37 : i32
    %and3A = arith.andi %ne3A, %ne3A_38 : i1
    %sub3A = arith.constant 1 : i32
    %sub3A_39 = arith.subi %div3A, %sub3A : i32
    %select_n3A = arith.select %and3A, %sub3A_39, %div3A : i32
    %rem3A_40 = arith.constant 8 : i32
    %rem3A_41 = arith.remsi %add3A_23, %rem3A_40 : i32
    %mul3A_42 = arith.constant 128 : i32
    %mul3A_43 = arith.muli %rem3A_41, %mul3A_42 : i32
    %dma_wait3A = arith.constant 0 : i32
    %dma_wait3A_44 = arith.constant 0 : i32
    %dma_wait3A_45 = arith.constant 0 : i32
    %dma_wait3A_46 = arith.constant 0 : i32
    %dma_wait3A_47 = tpu.memref_slice %arg7[%dma_wait3A, %dma_wait3A_45, %dma_wait3A_46] : memref<2x40x128xf32, #tpu.memory_space<vmem>> -> memref<1x40x128xf32, #tpu.memory_space<vmem>>
    %dma_wait3A_48 = tpu.memref_squeeze %dma_wait3A_47 : memref<1x40x128xf32, #tpu.memory_space<vmem>> -> memref<40x128xf32, #tpu.memory_space<vmem>>
    %dma_wait3A_49 = arith.constant 960 : i32
    %dma_wait3A_50 = tpu.memref_slice %arg4[%select_n3A, %dma_wait3A_49, %mul3A_43] : memref<200x1000x1024xf32, #tpu.memory_space<hbm>> -> memref<1x40x128xf32, #tpu.memory_space<hbm>>
    %dma_wait3A_51 = tpu.memref_squeeze %dma_wait3A_50 : memref<1x40x128xf32, #tpu.memory_space<hbm>> -> memref<40x128xf32, #tpu.memory_space<hbm>>
    %dma_wait3A_52 = tpu.memref_slice %arg8[%dma_wait3A_44] : memref<2x!tpu.dma_semaphore, #tpu.memory_space<semaphore_mem>> -> memref<1x!tpu.dma_semaphore, #tpu.memory_space<semaphore_mem>>
    %dma_wait3A_53 = tpu.memref_squeeze %dma_wait3A_52 : memref<1x!tpu.dma_semaphore, #tpu.memory_space<semaphore_mem>> -> memref<!tpu.dma_semaphore, #tpu.memory_space<semaphore_mem>>
    %dma_wait3A_54 = arith.constant 960 : i32
    %dma_wait3A_55 = tpu.memref_slice %arg4[%select_n3A, %dma_wait3A_54, %mul3A_43] : memref<200x1000x1024xf32, #tpu.memory_space<hbm>> -> memref<1x40x128xf32, #tpu.memory_space<hbm>>
    %dma_wait3A_56 = tpu.memref_squeeze %dma_wait3A_55 : memref<1x40x128xf32, #tpu.memory_space<hbm>> -> memref<40x128xf32, #tpu.memory_space<hbm>>
    %dma_wait3A_57 = arith.constant 0 : i32
    %dma_wait3A_58 = arith.constant 0 : i32
    %dma_wait3A_59 = tpu.memref_slice %arg7[%dma_wait3A, %dma_wait3A_57, %dma_wait3A_58] : memref<2x40x128xf32, #tpu.memory_space<vmem>> -> memref<1x40x128xf32, #tpu.memory_space<vmem>>
    %dma_wait3A_60 = tpu.memref_squeeze %dma_wait3A_59 : memref<1x40x128xf32, #tpu.memory_space<vmem>> -> memref<40x128xf32, #tpu.memory_space<vmem>>
    tpu.wait_dma2 semaphore(%dma_wait3A_53 : memref<!tpu.dma_semaphore, #tpu.memory_space<semaphore_mem>>) src(%dma_wait3A_60 : memref<40x128xf32, #tpu.memory_space<vmem>>) dst(%dma_wait3A_56 : memref<40x128xf32, #tpu.memory_space<hbm>>)
    %add3A_61 = arith.constant 1568 : i32
    %add3A_62 = arith.addi %add3A, %add3A_61 : i32
    %jit3A_63 = arith.constant 8 : i32
    %div3A_64 = arith.divsi %add3A_62, %jit3A_63 : i32
    %sign3A_65 = arith.constant 0 : i32
    %sign3A_66 = arith.cmpi sgt, %add3A_62, %sign3A_65 : i32
    %sign3A_67 = arith.extui %sign3A_66 : i1 to i32
    %sign3A_68 = arith.constant 0 : i32
    %sign3A_69 = arith.cmpi slt, %add3A_62, %sign3A_68 : i32
    %sign3A_70 = arith.extui %sign3A_69 : i1 to i32
    %sign3A_71 = arith.subi %sign3A_67, %sign3A_70 : i32
    %sign3A_72 = arith.constant 0 : i32
    %sign3A_73 = arith.cmpi sgt, %jit3A_63, %sign3A_72 : i32
    %sign3A_74 = arith.extui %sign3A_73 : i1 to i32
    %sign3A_75 = arith.constant 0 : i32
    %sign3A_76 = arith.cmpi slt, %jit3A_63, %sign3A_75 : i32
    %sign3A_77 = arith.extui %sign3A_76 : i1 to i32
    %sign3A_78 = arith.subi %sign3A_74, %sign3A_77 : i32
    %ne3A_79 = arith.cmpi ne, %sign3A_71, %sign3A_78 : i32
    %rem3A_80 = arith.remsi %add3A_62, %jit3A_63 : i32
    %ne3A_81 = arith.constant 0 : i32
    %ne3A_82 = arith.cmpi ne, %rem3A_80, %ne3A_81 : i32
    %and3A_83 = arith.andi %ne3A_79, %ne3A_82 : i1
    %sub3A_84 = arith.constant 1 : i32
    %sub3A_85 = arith.subi %div3A_64, %sub3A_84 : i32
    %select_n3A_86 = arith.select %and3A_83, %sub3A_85, %div3A_64 : i32
    %rem3A_87 = arith.constant 8 : i32
    %rem3A_88 = arith.remsi %add3A_62, %rem3A_87 : i32
    %mul3A_89 = arith.constant 128 : i32
    %mul3A_90 = arith.muli %rem3A_88, %mul3A_89 : i32
    %dma_wait3A_91 = arith.constant 1 : i32
    %dma_wait3A_92 = arith.constant 1 : i32
    %dma_wait3A_93 = arith.constant 0 : i32
    %dma_wait3A_94 = arith.constant 0 : i32
    %dma_wait3A_95 = tpu.memref_slice %arg7[%dma_wait3A_91, %dma_wait3A_93, %dma_wait3A_94] : memref<2x40x128xf32, #tpu.memory_space<vmem>> -> memref<1x40x128xf32, #tpu.memory_space<vmem>>
    %dma_wait3A_96 = tpu.memref_squeeze %dma_wait3A_95 : memref<1x40x128xf32, #tpu.memory_space<vmem>> -> memref<40x128xf32, #tpu.memory_space<vmem>>
    %dma_wait3A_97 = arith.constant 960 : i32
    %dma_wait3A_98 = tpu.memref_slice %arg4[%select_n3A_86, %dma_wait3A_97, %mul3A_90] : memref<200x1000x1024xf32, #tpu.memory_space<hbm>> -> memref<1x40x128xf32, #tpu.memory_space<hbm>>
    %dma_wait3A_99 = tpu.memref_squeeze %dma_wait3A_98 : memref<1x40x128xf32, #tpu.memory_space<hbm>> -> memref<40x128xf32, #tpu.memory_space<hbm>>
    %dma_wait3A_100 = tpu.memref_slice %arg8[%dma_wait3A_92] : memref<2x!tpu.dma_semaphore, #tpu.memory_space<semaphore_mem>> -> memref<1x!tpu.dma_semaphore, #tpu.memory_space<semaphore_mem>>
    %dma_wait3A_101 = tpu.memref_squeeze %dma_wait3A_100 : memref<1x!tpu.dma_semaphore, #tpu.memory_space<semaphore_mem>> -> memref<!tpu.dma_semaphore, #tpu.memory_space<semaphore_mem>>
    %dma_wait3A_102 = arith.constant 960 : i32
    %dma_wait3A_103 = tpu.memref_slice %arg4[%select_n3A_86, %dma_wait3A_102, %mul3A_90] : memref<200x1000x1024xf32, #tpu.memory_space<hbm>> -> memref<1x40x128xf32, #tpu.memory_space<hbm>>
    %dma_wait3A_104 = tpu.memref_squeeze %dma_wait3A_103 : memref<1x40x128xf32, #tpu.memory_space<hbm>> -> memref<40x128xf32, #tpu.memory_space<hbm>>
    %dma_wait3A_105 = arith.constant 0 : i32
    %dma_wait3A_106 = arith.constant 0 : i32
    %dma_wait3A_107 = tpu.memref_slice %arg7[%dma_wait3A_91, %dma_wait3A_105, %dma_wait3A_106] : memref<2x40x128xf32, #tpu.memory_space<vmem>> -> memref<1x40x128xf32, #tpu.memory_space<vmem>>
    %dma_wait3A_108 = tpu.memref_squeeze %dma_wait3A_107 : memref<1x40x128xf32, #tpu.memory_space<vmem>> -> memref<40x128xf32, #tpu.memory_space<vmem>>
    tpu.wait_dma2 semaphore(%dma_wait3A_101 : memref<!tpu.dma_semaphore, #tpu.memory_space<semaphore_mem>>) src(%dma_wait3A_108 : memref<40x128xf32, #tpu.memory_space<vmem>>) dst(%dma_wait3A_104 : memref<40x128xf32, #tpu.memory_space<hbm>>)
    return
  }
}

</mosaic_0001>

<sc_bundles>
// kernel: kernel.3.cloned.1.call-start
scs
__scs_entry_jumppad:
0x0: {  	(pc) =	sbr.rel $0x88, $3  }
0x1: {  	(tag) =	ssettag $0x0;
	lr =	simm.s32 $0x1  }
0x2: {  	[smem:$0x3F9F] =	sst lr;
	_ =	strace $0xD0000000  }
0x3: {  	_ = 	snop  }
0x4: {  	_ = 	snop  }
0x5: {  	_ = 	snop  }
0x6: {  	_ = 	snop  }
0x7: {  	_ = 	snop  }
__scs_overlays_trampoline_lowered:
0x8: {  	[smem:$0x3FAE] =	sst s0  }
0x9: {  	[smem:$0x3FAF] =	sst s1  }
0xa: {  	[smem:$0x3FB0] =	sst s2  }
0xb: {  	[smem:$0x3FB1] =	sst s3  }
0xc: {  	[smem:$0x3FB2] =	sst s4  }
0xd: {  	[smem:$0x3FB3] =	sst s5  }
0xe: {  	[smem:$0x3FB4] =	sst s6  }
0xf: {  	[smem:$0x3FB5] =	sst s7  }
0x10: {  	[smem:$0x3FB6] =	sst s8  }
0x11: {  	[smem:$0x3FB7] =	sst s9;
	s0 =	simm.s32 @!p0 $0x0  }
0x12: {  	s1 =	sld [smem:$0x3F9D];
	s0 =	simm.s32 @p0 $0x1  }
0x13: {  	[smem:$0x3FB8] =	sst s0;
	s0 =	simm.s32 @!p1 $0x0  }
0x14: {  	s2 =	sld [smem:$0x3F9C];
	s0 =	simm.s32 @p1 $0x1  }
0x15: {  	[smem:$0x3FB9] =	sst s0;
	s0 =	simm.s32 @!p2 $0x0  }
0x16: {  	s3 =	sld [smem:$0x3FDB];
	s0 =	simm.s32 @p2 $0x1  }
0x17: {  	s4 =	simm.s32 $0x1BF5;
	[smem:$0x3FBB] =	sst s0  }
0x18: {  	s0 =	sld [smem:$0x3F9E];
	_ =	swait.ge [sflag:s4], $0x0  }
0x19: {  	s7 =	sld [smem:$0x3F9F]  }
0x1a: {  	s8 =	sadd.s32 $0xFFFFE003, lr  }
0x1b: {  	s9 =	sadd.s32 $0xFFFFFEF7, lr;
	s5 =	simm.s32 $0xFFFFFFFF;
	p2 =	slt.u32 s8, $0xFFFFF086  }
0x1c: {  	p1 =	slt.u32 s9, $0xF7A;
	s5 =	simm.s32 @!p2 $0x0  }
0x1d: {  	s5 =	simm.s32 @p1 $0x1;
	p0 =	seq.s32 s7, s2  }
0x1e: {  	s7 =	smul.u32 @!p0 $0xF7A, s2;
	p2 =	seq.s32 @!p0 s5, $0x0  }
0x1f: {  	s9 =	smul.u32 $0xF7A, s1;
	s8 =	simm.s32 @!p0 $0x1BF5;
	p2 =	por !p2, p0  }
0x20: {  	[sflag:s8] =	ssyncset.s32 @!p0 $0xFFFFF086;
	s6 =	sadd.s32 @!p0 s3, s7;
	s7 =	simm.s32 @!p0 $0x108  }
0x21: {  	s3 =	sadd.s32 s3, s9;
	s6 =	sadd.s32 @!p0 $0x88, s6;
	s7 =	simm.s32 @p2 $0x1082  }
0x22: {  	[simem:s7], [sflag:s8] =	dma.local @!p0 [hbm:s6], $0xF7A  }
0x23: {  	s9 =	sor.u32 $0xD0000000, s2;
	s6 =	simm.s32 $0x108;
	_ =	swait.ge @!p0 [sflag:s8], $0x0  }
0x24: {  	s3 =	sadd.s32 $0x88, s3;
	s6 =	simm.s32 @!p1 $0x1082;
	[sflag:s4] =	ssyncset.s32 $0xFFFFF086  }
0x25: {  	[simem:s6], [sflag:s4] =	dma.local [hbm:s3], $0xF7A  }
0x26: {  	[smem:$0x3F9F] =	sst s1;
	(tag) =	ssettag s2;
	_ =	strace s9  }
0x27: {  	s1 =	sld [smem:$0x3FAF]  }
0x28: {  	s2 =	sld [smem:$0x3FB0]  }
0x29: {  	s4 =	sld [smem:$0x3FB2]  }
0x2a: {  	p0 =	seq.s32 s5, $0x0;
	s5 =	sld [smem:$0x3FB3]  }
0x2b: {  	s6 =	sld [smem:$0x3FB4]  }
0x2c: {  	s7 =	sld [smem:$0x3FB5]  }
0x2d: {  	s3 =	simm.s32 $0x108;
	s8 =	sld [smem:$0x3FB6]  }
0x2e: {  	s3 =	simm.s32 @!p0 $0x1082;
	s9 =	sld [smem:$0x3FB7]  }
0x2f: {  	lr =	sadd.s32 s0, s3;
	s0 =	sld [smem:$0x3FAE]  }
0x30: {  	s3 =	sld [smem:$0x3FB1]  }
0x31: {  	[smem:$0x3FBA] =	sst s10  }
0x32: {  	s10 =	sld [smem:$0x3FB8];
	_ =	sdelay $0x3  }
0x33: {  	p0 =	seq.s32 s10, $0x1;
	s10 =	sld [smem:$0x3FBA];
	_ =	sdelay $0x3  }
0x34: {  	[smem:$0x3FBA] =	sst s10  }
0x35: {  	s10 =	sld [smem:$0x3FB9];
	_ =	sdelay $0x3  }
0x36: {  	p1 =	seq.s32 s10, $0x1;
	s10 =	sld [smem:$0x3FBA];
	_ =	sdelay $0x3  }
0x37: {  	[smem:$0x3FBA] =	sst s10  }
0x38: {  	s10 =	sld [smem:$0x3FBB]  }
0x39: {  	_ = 	snop;
	(pc) =	sbr.ind lr, $3  }
0x3a: {  	_ = 	snop  }
0x3b: {  	_ = 	snop  }
0x3c: {  	p2 =	seq.s32 s10, $0x1;
	s10 =	sld [smem:$0x3FBA]  }
0x3d: {  	_ =	shalt  }
0x3e: {  	_ =	shalt  }
0x3f: {  	_ =	shalt  }
0x40: {  	_ =	shalt  }
0x41: {  	_ =	shalt  }
0x42: {  	_ =	shalt  }
0x43: {  	_ =	shalt  }
0x44: {  	_ =	shalt  }
0x45: {  	_ =	shalt  }
0x46: {  	_ =	shalt  }
0x47: {  	_ =	shalt  }
0x48: {  	_ =	shalt  }
0x49: {  	_ =	shalt  }
0x4a: {  	_ =	shalt  }
0x4b: {  	_ =	shalt  }
0x4c: {  	_ =	shalt  }
0x4d: {  	_ =	shalt  }
0x4e: {  	_ =	shalt  }
0x4f: {  	_ =	shalt  }
0x50: {  	_ =	shalt  }
0x51: {  	_ =	shalt  }
0x52: {  	_ =	shalt  }
0x53: {  	_ =	shalt  }
0x54: {  	_ =	shalt  }
0x55: {  	_ =	shalt  }
0x56: {  	_ =	shalt  }
0x57: {  	_ =	shalt  }
0x58: {  	_ =	shalt  }
0x59: {  	_ =	shalt  }
0x5a: {  	_ =	shalt  }
0x5b: {  	_ =	shalt  }
0x5c: {  	_ =	shalt  }
0x5d: {  	_ =	shalt  }
0x5e: {  	_ =	shalt  }
0x5f: {  	_ =	shalt  }
0x60: {  	_ =	shalt  }
0x61: {  	_ =	shalt  }
0x62: {  	_ =	shalt  }
0x63: {  	_ =	shalt  }
0x64: {  	_ =	shalt  }
0x65: {  	_ =	shalt  }
0x66: {  	_ =	shalt  }
0x67: {  	_ =	shalt  }
0x68: {  	_ =	shalt  }
0x69: {  	_ =	shalt  }
0x6a: {  	_ =	shalt  }
0x6b: {  	_ =	shalt  }
0x6c: {  	_ =	shalt  }
0x6d: {  	_ =	shalt  }
0x6e: {  	_ =	shalt  }
0x6f: {  	_ =	shalt  }
0x70: {  	_ =	shalt  }
0x71: {  	_ =	shalt  }
0x72: {  	_ =	shalt  }
0x73: {  	_ =	shalt  }
0x74: {  	_ =	shalt  }
0x75: {  	_ =	shalt  }
0x76: {  	_ =	shalt  }
0x77: {  	_ =	shalt  }
0x78: {  	_ =	shalt  }
0x79: {  	_ =	shalt  }
0x7a: {  	_ =	shalt  }
0x7b: {  	_ =	shalt  }
0x7c: {  	_ =	shalt  }
0x7d: {  	_ =	shalt  }
0x7e: {  	_ =	shalt  }
0x7f: {  	_ =	shalt  }
0x80: {  	_ =	shalt  }
0x81: {  	_ =	shalt  }
0x82: {  	_ =	shalt  }
0x83: {  	_ =	shalt  }
0x84: {  	_ =	shalt  }
0x85: {  	_ =	shalt  }
0x86: {  	_ =	shalt  }
0x87: {  	_ =	shalt  }
.Lfunc_end0:
.L_simem_size_0:
called_computation_lowered:
.L_overlay_start_0:
0x88: {  	s2 =	sld [smem:$0x3FD9]  }
0x89: {  	s3 =	sld [smem:$0x3FFE];
	_ =	sdelay $0x1  }
0x8a: {  	s1 =	srdreg.scid  }
0x8b: {  	s0 =	sand.u32 $0x1, s1  }
0x8c: {  	s17 =	sshll.u32 s0, $0xA;
	s2 =	sadd.s32 s3, s2  }
0x8d: {  	s2 =	sadd.s32 s2, s17  }
0x8e: {  	[smem:$0x3FC6] =	sst s2  }
0x8f: {  	_ = 	snop  }
0x90: {  	s2 =	sld [smem:$0x3FD0];
	(tm) =	ssettm $0x1  }
0x91: {  	s18 =	sld [smem:$0x3FFB];
	_ =	sdelay $0x3  }
0x92: {  	_ =	strace s18  }
0x93: {  	s3 =	sld [smem:$0x3FFC];
	_ =	sdelay $0x3  }
0x94: {  	_ =	strace s3  }
0x95: {  	s3 =	sld [smem:$0x3FFD];
	_ =	sdelay $0x3  }
0x96: {  	_ =	strace s3  }
0x97: {  	_ =	strace $0x8FFFFFFF  }
0x98: {  	s19 =	sld [smem:$0x3FDB];
	_ =	sdelay $0x1  }
0x99: {  	s4 =	simm.s32 $_scs_section_size  }
0x9a: {  	s5 =	simm.s32 $_size__tile_overlayer_lowered;
	s6 =	simm.s32 $_tile_overlayer_lowered  }
0x9b: {  	s22 =	simm.s32 $0x1BFF;
	s21 =	sshll.u32 s6, $0x1;
	s3 =	sadd.s32 s4, s19  }
0x9c: {  	s7 =	simm.s32 $0x0;
	s20 =	sshll.u32 s5, $0x1;
	s5 =	sadd.s32 s21, s3  }
0x9d: {  	[timem:s7], [sflag:s22] =	dma.local [hbm:s5], s20  }
0x9e: {  	_ =	swait.ge [sflag:s22], s20  }
0x9f: {  	s4 =	ssub.s32 $0x0, s20;
	[sflag:s22] =	ssyncset.done $0x0  }
0xa0: {  	[sflag:s22] =	ssyncadd.s32 s4;
	_ =	sdelay $0x1  }
0xa1: {  	s23 =	simm.s32 $0x1B8B  }
0xa2: {  	_ =	swait.ge [sflag:s23], $0x1  }
0xa3: {  	[sflag:s23] =	ssyncset.done $0x0  }
0xa4: {  	s25 =	simm.s32 $0x1B8E;
	s24 =	sld [smem:$0x3FFE];
	[sflag:s23] =	ssyncadd.s32 $0xFFFFFFFF  }
0xa5: {  	s26 =	simm.s32 $execute0_lowered;
	[smem:$0x3FD2] =	sst s25  }
0xa6: {  	s5 =	sshll.u32 s26, $0x1;
	_ =	strace $0x80000046;
	[dreg:$0x1] =	wrdreg $0xFFFFFFFF  }
0xa7: {  	s28 =	simm.s32 $_size_execute0_lowered;
	s3 =	sadd.s32 s3, s5;
	[dreg:$0x0] =	wrdreg $0x0  }
0xa8: {  	s5 =	sshll.u32 s28, $0x1;
	[dreg:$0x2] =	wrdreg s3  }
0xa9: {  	[dreg:$0x3] =	wrdreg s5  }
0xaa: {  	[dreg:$0x4] =	wrdreg $0xC0  }
0xab: {  	_ =	task [dreg:s7], $0x5FFFF  }
0xac: {  	[dreg:$0x1] =	wrdreg $0xFFFFFFFF  }
0xad: {  	[dreg:$0x0] =	wrdreg $0x60  }
0xae: {  	[dreg:$0x2] =	wrdreg s24  }
0xaf: {  	[dreg:$0x3] =	wrdreg s2  }
0xb0: {  	[dreg:$0x4] =	wrdreg $0x9  }
0xb1: {  	_ =	task.clear_ibuf [dreg:s7], $0x5FFFF;
	_ =	strace $0x90000046  }
0xb2: {  	s29 =	simm.s32 $0x9;
	_ =	strace $0x80000048  }
0xb3: {  	_ =	swait.ge [sflag:s29], $0x1  }
0xb4: {  	[sflag:s29] =	ssyncadd.s32 $0xFFFFFFFF  }
0xb5: {  	_ =	strace $0x90000048  }
0xb6: {  	_ =	sfence  }
0xb7: {  	s30 =	sld [smem:$0x0];
	_ =	sdelay $0x2  }
0xb8: {  	s31 =	sshll.u32 s1, $0xD;
	s1 =	sshrl.u32 s1, $0x2  }
0xb9: {  	s3 =	sand.u32 $0x4000, s31;
	s1 =	sadd.s32 s1, s30  }
0xba: {  	s0 =	sor.u32 s3, s0;
	s1 =	sshll.u32 s1, $0x11  }
0xbb: {  	s0 =	sor.u32 s1, s0  }
0xbc: {  	s0 =	sadd.s32 $0x8F2B, s0  }
0xbd: {  	[sflag:s0] =	ssyncadd.remote.s32 $0x1  }
0xbe: {  	_ =	sfence.sel $0xFFFF  }
0xbf: {  	[dreg:$0x0] =	wrdreg $0xFFFFFFFF;
	(pc) =	sbr.abs _section_cstart, $3  }
0xc0: {  	[dreg:$0x1] =	wrdreg $0xFFFFFFFF  }
0xc1: {  	_ =	task.clear_ibuf [dreg:s7], $0x2FFFF;
	_ =	strace $0x9FFFFFFF  }
0xc2: {  	(tm) =	ssettm $0x7FFFFFFF  }
0xc3: {  	_ =	shalt  }
tec
execute0_lowered:
.L_overlay_start_1:
0x0: {  	(tag) =	ssettag $0x1  }
0x1: {  	s6 =	rddreg [dreg:$0x0]  }
0x2: {  	s1 =	rddreg [dreg:$0x1]  }
0x3: {  	s0 =	rddreg [dreg:$0x2];
	s2 =	simm.s32 $0x0;
	s3 =	srdreg.scid  }
0x4: {  	s12 =	simm.s32 $0x1900;
	s14 =	simm.s32 $0x400;
	s15 =	simm.s32 $0x2000  }
0x5: {  	s16 =	simm.s32 $0x15180;
	s17 =	simm.s32 $0x16580;
	s18 =	simm.s32 $0x2  }
0x6: {  	s19 =	simm.s32 $0x0;
	[smem:$0x7FF] =	sst s2;
	s7 =	sand.u32 $0x1, s3  }
0x7: {  	s4 =	sadd.s32 $0x6800, s6;
	s3 =	stileid.u32;
	_ =	strace $0x80000047  }
0x8: {  	s8 =	ssub.s32 $0x2, s7;
	s9 =	sshll.u32 s3, $0x5;
	s5 =	sshll.u32 s3, $0x1  }
0x9: {  	s10 =	sshrl.u32 s8, $0x1;
	s9 =	sadd.s32 s9, s6;
	s6 =	sor.u32 s7, s5  }
0xa: {  	s11 =	sshll.u32 s7, $0x4;
	s10 =	ssub.s32 s8, s10;
	s13 =	sand.u32 $0x7, s6  }
0xb: {  	s31 =	sshll.u32 s6, $0xA;
	s11 =	sadd.s32 s11, s9;
	s7 =	sshll.u32 s13, $0xA  }
0xc: {  	s8 =	sand.u32 $0x1C00, s31;
	s9 =	smax.u32 s10, $0x1;
	s10 =	sadd.s32 $0x400, s11  }
0xd: {  	s11 =	simm.s32 $0x5;
	p0 =	sne.s32 s13, $0x0;
	s13 =	simm.s32 $0x1  }
.LBB2_1:
0xe: {  	s20 =	simm.s32 $0x0;
	s21 =	sadd.s32 $0x0, s10  }
0xf: {  	[tilespmem:s20], [sflag:$0x5] =	stream.linear.gather [hbm4b:s21+s2], $0x80, $0x38;
	[tilespmem:$0x17980] =	vst v63  }
0x10: {  	_ =	swait.ge [sflag:s11], $0x80  }
0x11: {  	s20 =	simm.s32 $0x200;
	[sflag:s11] =	ssyncset.done $0x0  }
.LBB2_2:
0x12: {  	s21 =	sshra.s32 s20, $0x2  }
0x13: {  	s22 =	sadd.s32 s20, s10;
	[sflag:s11] =	ssyncadd.s32 $0xFFFFFF80;
	p1 =	sne.s32 s20, $0x6200  }
0x14: {  	[tilespmem:s21], [sflag:$0x5] =	stream.linear.gather [hbm4b:s22+s2], $0x80, $0x38;
	[tilespmem:$0x17980] =	vst v63  }
.Ltmp0:
0x15: {  	_ = 	snop;
	(pc) =	sbr.rel @p1 .LBB2_2-.Ltmp0, $4  }
0x16: {  	_ = 	snop  }
0x17: {  	s20 =	sadd.s32 $0x200, s20  }
0x18: {  	_ =	swait.ge [sflag:s11], $0x80  }
0x19: {  	[sflag:s11] =	ssyncset.done $0x0  }
0x1a: {  	[sflag:s11] =	ssyncadd.s32 $0xFFFFFF80;
	s20 =	simm.s32 $0x0  }
0x1b: {  	[tilespmem:s12], [sflag:$0x3] =	stream.linear.gather [hbm4b:s4+s20], $0x9C40, $0x38;
	[tilespmem:$0x17980] =	vst v63  }
.LBB2_4:
0x1c: {  	s21 =	sshll.u32 s20, $0x1  }
0x1d: {  	s23 =	sand.u32 $0xFFFE, s21  }
0x1e: {  	s23 =	smul.u32 $0x147B, s23;
	_ =	sdelay $0x1  }
0x1f: {  	s22 =	smul.u32 $0x47AF, s20;
	s23 =	sshrl.u32 s23, $0x12  }
0x20: {  	s23 =	smul.u32 $0x32, s23;
	_ =	sdelay $0x1  }
0x21: {  	s22 =	sshrl.u32 s22, $0x10;
	s21 =	ssub.s32 s21, s23  }
0x22: {  	s24 =	ssub.s32 s20, s22;
	s21 =	sand.u32 $0xFFFE, s21  }
0x23: {  	s24 =	sand.u32 $0xFFFE, s24;
	p1 =	sne.s32 s21, $0x0  }
.Ltmp1:
0x24: {  	s24 =	sshrl.u32 s24, $0x1;
	(pc) =	sbr.rel @p1 .LBB2_9-.Ltmp1, $4  }
0x25: {  	s22 =	sadd.s32 s22, s24  }
0x26: {  	s22 =	sand.u32 $0xFFF0, s22  }
0x27: {  	s22 =	sshrl.u32 s22, $0x4  }
0x28: {  	s23 =	sand.u32 $0x1, s22  }
0x29: {  	p1 =	slt.u32 s20, $0x258  }
.Ltmp2:
0x2a: {  	_ = 	snop;
	(pc) =	sbr.rel @!p1 .LBB2_6-.Ltmp2, $4  }
0x2b: {  	s24 =	sadd.s32 $0x3, s23  }
0x2c: {  	_ =	swait.ge [sflag:s24], $0x9C40  }
0x2d: {  	[sflag:s24] =	ssyncset.done $0x0  }
0x2e: {  	[sflag:s24] =	ssyncadd.s32 $0xFFFF63C0  }
0x2f: {  	s24 =	sxor.u32 $0x1, s23;
	s25 =	smul.u32 $0x9C40, s22  }
0x30: {  	s26 =	smul.u32 $0x27100, s24  }
0x31: {  	s25 =	sshrl.u32 s25, $0x3  }
0x32: {  	s26 =	sshrl.u32 s26, $0x2;
	s25 =	sadd.s32 s4, s25  }
0x33: {  	s24 =	sadd.s32 $0x3, s24;
	s26 =	sadd.s32 $0x1900, s26;
	s25 =	sadd.s32 $0x1388, s25  }
0x34: {  	[tilespmem:s26], [sflag:s24] =	stream.linear.gather [hbm4b:s25+s2], $0x9C40, $0x38;
	[tilespmem:$0x17980] =	vst v63  }
.LBB2_9:
0x35: {  	p1 =	seq.s32 s20, $0x0  }
.Ltmp3:
0x36: {  	_ = 	snop;
	(pc) =	sbr.rel @!p1 .LBB2_7-.Ltmp3, $2  }
0x37: {  	_ =	sdelay $0x2  }
0x38: {  	s23 =	smul.u32 $0x9C40, s23  }
.Ltmp4:
0x39: {  	(pc) =	sbr.rel .LBB2_11-.Ltmp4, $2  }
0x3a: {  	_ =	sdelay $0x2  }
0x3b: {  	p1 =	por $0x1, $0x1  }
.LBB2_6:
0x3c: {  	s23 =	smul.u32 $0x9C40, s23  }
.LBB2_7:
0x3d: {  	_ =	swait.ge [sflag:s13], $0x1400  }
0x3e: {  	[sflag:s13] =	ssyncset.done $0x0  }
0x3f: {  	p1 =	por $0x0, $0x0;
	[sflag:s13] =	ssyncadd.s32 $0xFFFFEC00  }
.LBB2_11:
0x40: {  	s24 =	sshll.u32 s21, $0x7  }
0x41: {  	v0 =	vld [tilespmem:s24+$0x0]  }
0x42: {  	v1 =	vld [tilespmem:s24+$0x10]  }
0x43: {  	v2 =	vld [tilespmem:s24+$0x20]  }
0x44: {  	v3 =	vld [tilespmem:s24+$0x30]  }
0x45: {  	v4 =	vld [tilespmem:s24+$0x40]  }
0x46: {  	v9 =	vld [tilespmem:s24+$0x50]  }
0x47: {  	v12 =	vld [tilespmem:s24+$0x70];
	v10 =	vadd.s32 s23, v0  }
0x48: {  	v14 =	vld [tilespmem:s24+$0x60];
	v7 =	vadd.s32 s23, v1  }
0x49: {  	v5 =	vadd.s32 s23, v2  }
0x4a: {  	v6 =	vadd.s32 s23, v3  }
0x4b: {  	v8 =	vadd.s32 s23, v4  }
0x4c: {  	v11 =	vadd.s32 s23, v9;
	v3 =	vld.idx.msk [tilespmem:v10+s12+$0x0], $0xffff  }
0x4d: {  	v13 =	vadd.s32 s23, v12;
	v12 =	vadd.s32 s23, v14;
	v1 =	vld.idx.msk [tilespmem:v7+s12+$0x0], $0xffff  }
0x4e: {  	v2 =	vld.idx.msk [tilespmem:v5+s12+$0x0], $0xffff  }
0x4f: {  	v14 =	vadd.s32 $0x3E8, v10;
	v4 =	vld.idx.msk [tilespmem:v6+s12+$0x0], $0xffff  }
0x50: {  	s24 =	simm.s32 $0x400;
	v0 =	vmov s23;
	s23 =	simm.s32 $0x0;
	v15 =	vadd.s32 $0x3E8, v13;
	v9 =	vld.idx.msk [tilespmem:v8+s12+$0x0], $0xffff  }
.LBB2_12:
0x51: {  	p2 =	sne.s32 s24, $0x4C00;
	v16 =	vld.idx.msk [tilespmem:v11+s12+$0x0], $0xffff;
	v17 =	vadd.s32 $0x3E8, v7  }
0x52: {  	v19 =	vadd.s32 $0x3E8, v5;
	v18 =	vld.idx.msk [tilespmem:v12+s12+$0x0], $0xffff  }
0x53: {  	v21 =	vadd.s32 $0x3E8, v6;
	v20 =	vld.idx.msk [tilespmem:v13+s12+$0x0], $0xffff  }
0x54: {  	v22 =	vadd.s32 $0x3E8, v8;
	v14 =	vld.idx.msk [tilespmem:v14+s12+$0x0], $0xffff  }
0x55: {  	v23 =	vadd.s32 $0x3E8, v11;
	v15 =	vld.idx.msk [tilespmem:v15+s12+$0x0], $0xffff  }
0x56: {  	v24 =	vadd.s32 $0x3E8, v12;
	v17 =	vld.idx.msk [tilespmem:v17+s12+$0x0], $0xffff  }
0x57: {  	v19 =	vld.idx.msk [tilespmem:v19+s12+$0x0], $0xffff  }
0x58: {  	v21 =	vld.idx.msk [tilespmem:v21+s12+$0x0], $0xffff  }
0x59: {  	v22 =	vld.idx.msk [tilespmem:v22+s12+$0x0], $0xffff  }
0x5a: {  	s25 =	sshra.s32 s23, $0x2;
	s23 =	smov.u32 s24;
	v23 =	vld.idx.msk [tilespmem:v23+s12+$0x0], $0xffff  }
0x5b: {  	v24 =	vld.idx.msk [tilespmem:v24+s12+$0x0], $0xffff;
	[tilespmem:s25+$0x15270] =	vst v15  }
0x5c: {  	[tilespmem:s25+$0x15200] =	vst v14  }
0x5d: {  	[tilespmem:s25+$0x15210] =	vst v17  }
0x5e: {  	[tilespmem:s25+$0x15220] =	vst v19  }
0x5f: {  	[tilespmem:s25+$0x15230] =	vst v21  }
0x60: {  	[tilespmem:s25+$0x15240] =	vst v22  }
0x61: {  	[tilespmem:s25+$0x15250] =	vst v23  }
0x62: {  	[tilespmem:s25+$0x15260] =	vst v24  }
0x63: {  	[tilespmem:s25+$0x15180] =	vst v3  }
0x64: {  	[tilespmem:s25+$0x15190] =	vst v1  }
0x65: {  	[tilespmem:s25+$0x151A0] =	vst v2  }
0x66: {  	v10 =	vadd.s32 $0x7D0, v10;
	[tilespmem:s25+$0x151B0] =	vst v4  }
0x67: {  	v7 =	vadd.s32 $0x7D0, v7;
	[tilespmem:s25+$0x151C0] =	vst v9  }
0x68: {  	v5 =	vadd.s32 $0x7D0, v5;
	[tilespmem:s25+$0x151D0] =	vst v16  }
0x69: {  	v6 =	vadd.s32 $0x7D0, v6;
	[tilespmem:s25+$0x151E0] =	vst v18  }
0x6a: {  	v8 =	vadd.s32 $0x7D0, v8;
	[tilespmem:s25+$0x151F0] =	vst v20  }
.Ltmp5:
0x6b: {  	v11 =	vadd.s32 $0x7D0, v11;
	v3 =	vld.idx.msk [tilespmem:v10+s12+$0x0], $0xffff;
	(pc) =	sbr.rel @p2 .LBB2_12-.Ltmp5, $4  }
0x6c: {  	v12 =	vadd.s32 $0x7D0, v12;
	v1 =	vld.idx.msk [tilespmem:v7+s12+$0x0], $0xffff  }
0x6d: {  	v13 =	vadd.s32 $0x7D0, v13;
	v2 =	vld.idx.msk [tilespmem:v5+s12+$0x0], $0xffff  }
0x6e: {  	v14 =	vadd.s32 $0x3E8, v10;
	v4 =	vld.idx.msk [tilespmem:v6+s12+$0x0], $0xffff  }
0x6f: {  	s24 =	sadd.s32 $0x400, s24;
	v15 =	vadd.s32 $0x3E8, v13;
	v9 =	vld.idx.msk [tilespmem:v8+s12+$0x0], $0xffff  }
0x70: {  	_ =	sdelay $0x3  }
0x71: {  	v10 =	vld.idx.msk [tilespmem:v11+s12+$0x0], $0xffff;
	v7 =	vadd.s32 $0x3E8, v7  }
0x72: {  	v16 =	vld.idx.msk [tilespmem:v12+s12+$0x0], $0xffff;
	v5 =	vadd.s32 $0x3E8, v5  }
0x73: {  	v13 =	vld.idx.msk [tilespmem:v13+s12+$0x0], $0xffff;
	v6 =	vadd.s32 $0x3E8, v6  }
0x74: {  	v8 =	vadd.s32 $0x3E8, v8;
	v14 =	vld.idx.msk [tilespmem:v14+s12+$0x0], $0xffff  }
0x75: {  	v11 =	vadd.s32 $0x3E8, v11;
	v15 =	vld.idx.msk [tilespmem:v15+s12+$0x0], $0xffff  }
0x76: {  	v12 =	vadd.s32 $0x3E8, v12;
	v7 =	vld.idx.msk [tilespmem:v7+s12+$0x0], $0xffff  }
0x77: {  	v5 =	vld.idx.msk [tilespmem:v5+s12+$0x0], $0xffff  }
0x78: {  	v6 =	vld.idx.msk [tilespmem:v6+s12+$0x0], $0xffff  }
0x79: {  	v8 =	vld.idx.msk [tilespmem:v8+s12+$0x0], $0xffff  }
0x7a: {  	s23 =	sshra.s32 s23, $0x2;
	v11 =	vld.idx.msk [tilespmem:v11+s12+$0x0], $0xffff  }
0x7b: {  	v12 =	vld.idx.msk [tilespmem:v12+s12+$0x0], $0xffff;
	[tilespmem:s23+$0x15270] =	vst v15  }
0x7c: {  	[tilespmem:s23+$0x15200] =	vst v14  }
0x7d: {  	[tilespmem:s23+$0x15180] =	vst v3  }
0x7e: {  	s24 =	sshll.u32 s21, $0x5;
	[tilespmem:s23+$0x15190] =	vst v1  }
0x7f: {  	s24 =	sor.u32 s6, s24;
	[tilespmem:s23+$0x151A0] =	vst v2  }
0x80: {  	p2 =	seq.s32 s24, $0x0;
	[tilespmem:s23+$0x151B0] =	vst v4  }
0x81: {  	p2 =	por !p0, !p2;
	[tilespmem:s23+$0x151C0] =	vst v9  }
0x82: {  	s25 =	simm.s32 $0x1;
	p2 =	por !p2, !p2;
	[tilespmem:s23+$0x151D0] =	vst v10  }
0x83: {  	s24 =	sshrl.u32 s24, $0x3;
	s25 =	simm.s32 @!p2 $0x0;
	[tilespmem:s23+$0x151E0] =	vst v16  }
0x84: {  	s22 =	smul.u32 $0xA000, s22;
	[tilespmem:s23+$0x151F0] =	vst v13;
	s24 =	ssub.s32 s24, s25  }
0x85: {  	s24 =	smul.u32 $0xFA000, s24;
	[tilespmem:s23+$0x15210] =	vst v7  }
0x86: {  	[tilespmem:s23+$0x15220] =	vst v5  }
0x87: {  	s24 =	sadd.s32 s22, s24;
	[tilespmem:s23+$0x15230] =	vst v6  }
0x88: {  	[tilespmem:s23+$0x15240] =	vst v8;
	s24 =	sor.u32 s7, s24  }
0x89: {  	[tilespmem:s23+$0x15250] =	vst v11;
	s24 =	sshrl.u32 s24, $0x3  }
0x8a: {  	[tilespmem:s23+$0x15260] =	vst v12;
	s23 =	simm.s32 @!p1 $0x2;
	s30 =	sadd.s32 s1, s24  }
0x8b: {  	[hbm4b:s30+s14] =	stream.strided.scatter [tilespmem:s16], [sflag:$0x1], $0x1400, s15, s14, $0x38;
	[tilespmem:$0x17980] =	vst v63  }
0x8c: {  	_ =	swait.ge @!p1 [sflag:s23], $0x1400  }
0x8d: {  	s21 =	sor.u32 $0x1, s21;
	[sflag:s23] =	ssyncset.done @!p1 $0x0  }
0x8e: {  	s31 =	sshll.u32 s21, $0x7;
	[sflag:s23] =	ssyncadd.s32 @!p1 $0xFFFFEC00  }
0x8f: {  	v1 =	vld [tilespmem:s31+$0x0]  }
0x90: {  	v2 =	vld [tilespmem:s31+$0x10]  }
0x91: {  	v4 =	vld [tilespmem:s31+$0x20]  }
0x92: {  	v6 =	vld [tilespmem:s31+$0x30]  }
0x93: {  	v7 =	vld [tilespmem:s31+$0x40]  }
0x94: {  	v9 =	vld [tilespmem:s31+$0x50]  }
0x95: {  	v10 =	vld [tilespmem:s31+$0x70];
	v5 =	vadd.s32 v0, v1  }
0x96: {  	v11 =	vld [tilespmem:s31+$0x60];
	v3 =	vadd.s32 v0, v2  }
0x97: {  	v1 =	vadd.s32 v0, v4  }
0x98: {  	v2 =	vadd.s32 v0, v6  }
0x99: {  	v4 =	vadd.s32 v0, v7  }
0x9a: {  	v9 =	vadd.s32 v0, v9;
	v6 =	vld.idx.msk [tilespmem:v5+s12+$0x0], $0xffff  }
0x9b: {  	v12 =	vadd.s32 v0, v10;
	v0 =	vadd.s32 v0, v11;
	v7 =	vld.idx.msk [tilespmem:v3+s12+$0x0], $0xffff  }
0x9c: {  	v8 =	vld.idx.msk [tilespmem:v1+s12+$0x0], $0xffff  }
0x9d: {  	v13 =	vadd.s32 $0x3E8, v5;
	v10 =	vld.idx.msk [tilespmem:v2+s12+$0x0], $0xffff  }
0x9e: {  	s24 =	simm.s32 $0x400;
	s23 =	simm.s32 $0x0;
	v14 =	vadd.s32 $0x3E8, v12;
	v11 =	vld.idx.msk [tilespmem:v4+s12+$0x0], $0xffff  }
.LBB2_14:
0x9f: {  	p1 =	sne.s32 s24, $0x4C00;
	v15 =	vld.idx.msk [tilespmem:v9+s12+$0x0], $0xffff;
	v16 =	vadd.s32 $0x3E8, v3  }
0xa0: {  	v18 =	vadd.s32 $0x3E8, v1;
	v17 =	vld.idx.msk [tilespmem:v0+s12+$0x0], $0xffff  }
0xa1: {  	v20 =	vadd.s32 $0x3E8, v2;
	v19 =	vld.idx.msk [tilespmem:v12+s12+$0x0], $0xffff  }
0xa2: {  	v21 =	vadd.s32 $0x3E8, v4;
	v13 =	vld.idx.msk [tilespmem:v13+s12+$0x0], $0xffff  }
0xa3: {  	v22 =	vadd.s32 $0x3E8, v9;
	v14 =	vld.idx.msk [tilespmem:v14+s12+$0x0], $0xffff  }
0xa4: {  	v23 =	vadd.s32 $0x3E8, v0;
	v16 =	vld.idx.msk [tilespmem:v16+s12+$0x0], $0xffff  }
0xa5: {  	v18 =	vld.idx.msk [tilespmem:v18+s12+$0x0], $0xffff  }
0xa6: {  	v20 =	vld.idx.msk [tilespmem:v20+s12+$0x0], $0xffff  }
0xa7: {  	v21 =	vld.idx.msk [tilespmem:v21+s12+$0x0], $0xffff  }
0xa8: {  	s25 =	sshra.s32 s23, $0x2;
	s23 =	smov.u32 s24;
	v22 =	vld.idx.msk [tilespmem:v22+s12+$0x0], $0xffff  }
0xa9: {  	v23 =	vld.idx.msk [tilespmem:v23+s12+$0x0], $0xffff;
	[tilespmem:s25+$0x16670] =	vst v14  }
0xaa: {  	[tilespmem:s25+$0x16600] =	vst v13  }
0xab: {  	[tilespmem:s25+$0x16610] =	vst v16  }
0xac: {  	[tilespmem:s25+$0x16620] =	vst v18  }
0xad: {  	[tilespmem:s25+$0x16630] =	vst v20  }
0xae: {  	[tilespmem:s25+$0x16640] =	vst v21  }
0xaf: {  	[tilespmem:s25+$0x16650] =	vst v22  }
0xb0: {  	[tilespmem:s25+$0x16660] =	vst v23  }
0xb1: {  	[tilespmem:s25+$0x16580] =	vst v6  }
0xb2: {  	[tilespmem:s25+$0x16590] =	vst v7  }
0xb3: {  	[tilespmem:s25+$0x165A0] =	vst v8  }
0xb4: {  	v5 =	vadd.s32 $0x7D0, v5;
	[tilespmem:s25+$0x165B0] =	vst v10  }
0xb5: {  	v3 =	vadd.s32 $0x7D0, v3;
	[tilespmem:s25+$0x165C0] =	vst v11  }
0xb6: {  	v1 =	vadd.s32 $0x7D0, v1;
	[tilespmem:s25+$0x165D0] =	vst v15  }
0xb7: {  	v2 =	vadd.s32 $0x7D0, v2;
	[tilespmem:s25+$0x165E0] =	vst v17  }
0xb8: {  	v4 =	vadd.s32 $0x7D0, v4;
	[tilespmem:s25+$0x165F0] =	vst v19  }
.Ltmp6:
0xb9: {  	v9 =	vadd.s32 $0x7D0, v9;
	v6 =	vld.idx.msk [tilespmem:v5+s12+$0x0], $0xffff;
	(pc) =	sbr.rel @p1 .LBB2_14-.Ltmp6, $4  }
0xba: {  	v0 =	vadd.s32 $0x7D0, v0;
	v7 =	vld.idx.msk [tilespmem:v3+s12+$0x0], $0xffff  }
0xbb: {  	v12 =	vadd.s32 $0x7D0, v12;
	v8 =	vld.idx.msk [tilespmem:v1+s12+$0x0], $0xffff  }
0xbc: {  	v13 =	vadd.s32 $0x3E8, v5;
	v10 =	vld.idx.msk [tilespmem:v2+s12+$0x0], $0xffff  }
0xbd: {  	s24 =	sadd.s32 $0x400, s24;
	v14 =	vadd.s32 $0x3E8, v12;
	v11 =	vld.idx.msk [tilespmem:v4+s12+$0x0], $0xffff  }
0xbe: {  	_ =	sdelay $0x3  }
0xbf: {  	v5 =	vld.idx.msk [tilespmem:v9+s12+$0x0], $0xffff;
	v3 =	vadd.s32 $0x3E8, v3  }
0xc0: {  	v15 =	vld.idx.msk [tilespmem:v0+s12+$0x0], $0xffff;
	v1 =	vadd.s32 $0x3E8, v1  }
0xc1: {  	v12 =	vld.idx.msk [tilespmem:v12+s12+$0x0], $0xffff;
	v2 =	vadd.s32 $0x3E8, v2  }
0xc2: {  	v4 =	vadd.s32 $0x3E8, v4;
	v13 =	vld.idx.msk [tilespmem:v13+s12+$0x0], $0xffff  }
0xc3: {  	v62 =	vadd.s32 $0x3E8, v9;
	v14 =	vld.idx.msk [tilespmem:v14+s12+$0x0], $0xffff  }
0xc4: {  	v63 =	vadd.s32 $0x3E8, v0;
	v3 =	vld.idx.msk [tilespmem:v3+s12+$0x0], $0xffff  }
0xc5: {  	v1 =	vld.idx.msk [tilespmem:v1+s12+$0x0], $0xffff  }
0xc6: {  	v2 =	vld.idx.msk [tilespmem:v2+s12+$0x0], $0xffff  }
0xc7: {  	v4 =	vld.idx.msk [tilespmem:v4+s12+$0x0], $0xffff  }
0xc8: {  	s23 =	sshra.s32 s23, $0x2;
	v9 =	vld.idx.msk [tilespmem:v62+s12+$0x0], $0xffff  }
0xc9: {  	v0 =	vld.idx.msk [tilespmem:v63+s12+$0x0], $0xffff;
	[tilespmem:s23+$0x16670] =	vst v14  }
0xca: {  	[tilespmem:s23+$0x16600] =	vst v13  }
0xcb: {  	[tilespmem:s23+$0x16580] =	vst v6  }
0xcc: {  	[tilespmem:s23+$0x16590] =	vst v7  }
0xcd: {  	[tilespmem:s23+$0x165A0] =	vst v8  }
0xce: {  	[tilespmem:s23+$0x165B0] =	vst v10  }
0xcf: {  	[tilespmem:s23+$0x165C0] =	vst v11  }
0xd0: {  	s21 =	sshll.u32 s21, $0x5;
	[tilespmem:s23+$0x165D0] =	vst v5  }
0xd1: {  	s21 =	sor.u32 s5, s21;
	[tilespmem:s23+$0x165E0] =	vst v15  }
0xd2: {  	s21 =	sshrl.u32 s21, $0x3;
	[tilespmem:s23+$0x165F0] =	vst v12  }
0xd3: {  	s20 =	sadd.s32 $0x1, s20;
	s21 =	smul.u32 $0xFA000, s21;
	[tilespmem:s23+$0x16610] =	vst v3  }
0xd4: {  	p1 =	sne.s32 s20, $0x271;
	[tilespmem:s23+$0x16620] =	vst v1  }
.Ltmp7:
0xd5: {  	s21 =	sadd.s32 s22, s21;
	[tilespmem:s23+$0x16630] =	vst v2;
	(pc) =	sbr.rel @p1 .LBB2_4-.Ltmp7, $4  }
0xd6: {  	s21 =	sor.u32 s8, s21;
	[tilespmem:s23+$0x16640] =	vst v4  }
0xd7: {  	s21 =	sshrl.u32 s21, $0x3;
	[tilespmem:s23+$0x16650] =	vst v9  }
0xd8: {  	s21 =	sadd.s32 s1, s21;
	[tilespmem:s23+$0x16660] =	vst v0  }
0xd9: {  	[hbm4b:s21+s14] =	stream.strided.scatter [tilespmem:s17], [sflag:$0x2], $0x1400, s15, s14, $0x38;
	[tilespmem:$0x17980] =	vst v63  }
0xda: {  	s19 =	sadd.s32 $0x1, s19  }
0xdb: {  	_ =	swait.ge [sflag:s13], $0x1400;
	p1 =	sne.s32 s19, s9  }
.Ltmp8:
0xdc: {  	[sflag:s13] =	ssyncset.done $0x0;
	(pc) =	sbr.rel @p1 .LBB2_1-.Ltmp8, $4  }
0xdd: {  	[sflag:s13] =	ssyncadd.s32 $0xFFFFEC00  }
0xde: {  	_ =	swait.ge [sflag:s18], $0x1400  }
0xdf: {  	[sflag:s18] =	ssyncset.done $0x0  }
0xe0: {  	[sflag:s18] =	ssyncadd.s32 $0xFFFFEC00  }
0xe1: {  	_ =	sfence.sel $0x180000  }
0xe2: {  	[bflag:$0x0] =	sbarrier.arrive $0xFFFF  }
0xe3: {  	p0 =	sne.s32 s3, $0x0;
	_ =	strace $0x90000047  }
0xe4: {  	s0 =	sadd.s32 @!p0 $0x100000, s0;
	[bflag:$0x2] =	sbarrier.arrive $0xFFFF  }
0xe5: {  	[sflag:s0] =	ssyncadd.tile.s32 @!p0 $0x1;
	_ =	shalt  }
.Lfunc_end2:
_tile_overlayer_lowered:
.L_overlay_start_2:
0xe6: {  	(tag) =	ssettag $0x2  }
0xe7: {  	s0 =	rddreg [dreg:$0x0];
	s2 =	stileid.u32  }
0xe8: {  	s1 =	rddreg [dreg:$0x1];
	p0 =	sne.s32 s2, $0x0  }
0xe9: {  	s3 =	rddreg [dreg:$0x2];
	[bflag:$0x3] =	sbarrier.arrive $0xFFFF;
	s2 =	simm.s32 @!p0 $0x1C05  }
0xea: {  	[timem:s3], [sflag:s2] =	dma.local @!p0 [hbm:s0], s1  }
0xeb: {  	s0 =	simm.s32 @!p0 $0x5  }
0xec: {  	_ =	swait.ge @!p0 [sflag:s0], s1  }
0xed: {  	s1 =	ssub.s32 @!p0 $0x0, s1;
	[sflag:s0] =	ssyncset.done @!p0 $0x0  }
0xee: {  	[sflag:s0] =	ssyncadd.s32 @!p0 s1  }
0xef: {  	[bflag:$0x3] =	sbarrier.arrive $0xFFFF  }
0xf0: {  	_ =	shalt  }

</sc_bundles>
